<compile_context>
chip_gen: v7x
topology: tpu7x:2x2x1
jax: 0.10.2.dev20260603
libtpu: 0.0.44.dev20260713+nightly
codegen_flags: <defaults>
</compile_context>

<pallas_src>
import functools

import jax
import jax.numpy as jnp
from jax import lax
from jax.experimental import pallas as pl
from jax.experimental.pallas import tpu as pltpu
from jax.experimental.pallas import tpu_sc as plsc

B = 16384
S = 13
E = 16
C = 2


def kernel(x, emb_table, fc_w, fc_b):
    info = plsc.get_sparse_core_info()
    nw = info.num_cores * info.num_subcores
    bw = B // nw
    n_idx = bw * S

    x_flat = x.reshape(-1).astype(jnp.int32) * 8
    w = fc_w.reshape(-1)
    b_pad = jnp.zeros((E,), jnp.float32).at[:C].set(fc_b)
    proj = jnp.concatenate(
        [jnp.eye(E, dtype=jnp.float32),
         jnp.zeros((E, 128 - E), jnp.float32)], axis=1)
    proj = lax.optimization_barrier(proj)
    tbl_lin = (emb_table @ proj).reshape(emb_table.shape[0] * 8, E)

    mesh = plsc.VectorSubcoreMesh(core_axis_name="c", subcore_axis_name="s")

    @functools.partial(
        pl.kernel,
        mesh=mesh,
        out_type=jax.ShapeDtypeStruct((B * C,), jnp.float32),
        compiler_params=pltpu.CompilerParams(
            needs_layout_passes=False, use_tc_tiling_on_sc=False),
        scratch_types=[
            pltpu.VMEM((n_idx,), jnp.int32),
            pltpu.VMEM((n_idx, E), jnp.float32),
            pltpu.VMEM((C * S * E,), jnp.float32),
            pltpu.VMEM((E,), jnp.float32),
            pltpu.VMEM((bw * C,), jnp.float32),
            pltpu.SemaphoreType.DMA,
        ],
    )
    def sc_kernel(x_hbm, tbl_hbm, w_hbm, b_hbm, out_hbm,
                  idx_v, rows_v, w_v, b_v, out_v, sem):
        wid = lax.axis_index("s") * info.num_cores + lax.axis_index("c")
        base = wid * bw
        pltpu.sync_copy(x_hbm.at[pl.ds(base * S, n_idx)], idx_v)
        pltpu.sync_copy(w_hbm, w_v)
        pltpu.sync_copy(b_hbm, b_v)
        pltpu.async_copy(tbl_hbm.at[idx_v], rows_v, sem).wait()

        wv = [[w_v[pl.ds((c * S + s) * E, E)] for s in range(S)] for c in range(C)]
        bvec = b_v[...]
        b0 = bvec[0]
        b1 = bvec[1]
        lanes = lax.iota(jnp.int32, 16)

        def body(g, carry):
            vec = jnp.zeros((16,), jnp.float32)
            for j in range(8):
                o = (g * 8 + j) * S
                r = rows_v[o]
                acc0 = r * wv[0][0]
                acc1 = r * wv[1][0]
                for s in range(1, S):
                    r = rows_v[o + s]
                    acc0 = acc0 + r * wv[0][s]
                    acc1 = acc1 + r * wv[1][s]
                l0 = jnp.sum(acc0) + b0
                l1 = jnp.sum(acc1) + b1
                vec = jnp.where(lanes == 2 * j, l0, vec)
                vec = jnp.where(lanes == 2 * j + 1, l1, vec)
            out_v[pl.ds(g * 16, 16)] = vec
            return carry

        lax.fori_loop(0, bw // 8, body, 0)
        pltpu.sync_copy(out_v, out_hbm.at[pl.ds(base * C, bw * C)])

    out = sc_kernel(x_flat, tbl_lin, w, b_pad)
    return out.reshape(B, C)

# --- scband reference (transcript-rebuilt; emitter-appended) ---
"""Pipeline reference for scband-emoji-embedding-model-30459908063295 (READ-ONLY COPY).

The authoritative reference and input builder live on the scoring server;
editing this copy changes nothing except your own understanding.
"""

import jax, jax.numpy as jnp
import numpy as np

VOCAB = 1000000
EMBED_DIM = 16
NUM_CLASSES = 2
BATCH = 16384
SEQ = 13

def setup_inputs(seed: int = 0) -> dict:
    key = jax.random.key(seed)
    k1, k2, k3, k4 = jax.random.split(key, 4)
    x = jax.random.randint(k1, (BATCH, SEQ), 0, VOCAB, dtype=jnp.int64 if jax.config.jax_enable_x64 else jnp.int32)
    emb_table = jax.random.normal(k2, (VOCAB, EMBED_DIM), dtype=jnp.float32)
    fc_w = jax.random.normal(k3, (NUM_CLASSES, EMBED_DIM * SEQ), dtype=jnp.float32) * (1.0 / np.sqrt(EMBED_DIM * SEQ))
    fc_b = jax.random.normal(k4, (NUM_CLASSES,), dtype=jnp.float32) * 0.01
    return {"x": x, "emb_table": emb_table, "fc_w": fc_w, "fc_b": fc_b}

def reference(x, emb_table, fc_w, fc_b):
    # embedding lookup: gather rows of emb_table by x -> [B, 13, E]
    embeddings = jnp.take(emb_table, x, axis=0)
    # flatten: [B, 13*E]
    embeddings = embeddings.reshape(embeddings.shape[0], -1)
    # linear layer (torch nn.Linear: x @ W.T + b)
    logits = embeddings @ fc_w.T + fc_b
    return logits

if __name__ == "__main__":
    import jax
    _d = setup_inputs()
    print(jax.jit(kernel)(*tuple(_d.values())))

</pallas_src>

<mosaic_0001>
#map = affine_map<(d0, d1) -> (0)>
#map1 = affine_map<(d0, d1) -> (0, 0)>
module attributes {stable_mosaic.version = 14 : i64} {
  func.func @sc_kernel(%arg0: i32, %arg1: i32, %arg2: memref<212992xi32, #tpu.memory_space<hbm>>, %arg3: memref<8000000x16xf32, #tpu.memory_space<hbm>>, %arg4: memref<416xf32, #tpu.memory_space<hbm>>, %arg5: memref<16xf32, #tpu.memory_space<hbm>>, %arg6: memref<32768xf32, #tpu.memory_space<hbm>>, %arg7: memref<6656xi32, #tpu.memory_space<vmem>>, %arg8: memref<6656x16xf32, #tpu.memory_space<vmem>>, %arg9: memref<416xf32, #tpu.memory_space<vmem>>, %arg10: memref<16xf32, #tpu.memory_space<vmem>>, %arg11: memref<1024xf32, #tpu.memory_space<vmem>>, %arg12: memref<!tpu.dma_semaphore, #tpu.memory_space<semaphore_mem>>) attributes {dimension_semantics = [#tpu.dimension_semantics<core_parallel>, #tpu.dimension_semantics<subcore_parallel>], iteration_bounds = array<i64: 2, 16>, scalar_prefetch = 0 : i64, scratch_operands = 6 : i64, tpu.core_type = #tpu.core_type<sc_vector_subcore>, window_params = [{transform_indices = #map}, {transform_indices = #map1}, {transform_indices = #map}, {transform_indices = #map}, {transform_indices = #map}]} {
    %mul3A = arith.constant 2 : i32
    %mul3A_0 = arith.muli %arg1, %mul3A : i32
    %add3A = arith.addi %mul3A_0, %arg0 : i32
    %mul3A_1 = arith.constant 512 : i32
    %mul3A_2 = arith.muli %add3A, %mul3A_1 : i32
    %mul3A_3 = arith.constant 13 : i32
    %mul3A_4 = arith.muli %mul3A_2, %mul3A_3 : i32
    "tpu.region"() ({
      %run_scoped3A = tpu.sem_alloc : memref<!tpu.dma_semaphore, #tpu.memory_space<semaphore_mem>>
      %dma_start3A_71 = tpu.memref_slice %arg2[%mul3A_4] : memref<212992xi32, #tpu.memory_space<hbm>> -> memref<6656xi32, #tpu.memory_space<hbm>>
      %dma_start3A_72 = tpu.memref_slice %arg2[%mul3A_4] : memref<212992xi32, #tpu.memory_space<hbm>> -> memref<6656xi32, #tpu.memory_space<hbm>>
      tpu.enqueue_dma source(%dma_start3A_72 : memref<6656xi32, #tpu.memory_space<hbm>>) target(%arg7 : memref<6656xi32, #tpu.memory_space<vmem>>) target_semaphore(%run_scoped3A : memref<!tpu.dma_semaphore, #tpu.memory_space<semaphore_mem>>)
      %dma_wait3A_73 = tpu.memref_slice %arg2[%mul3A_4] : memref<212992xi32, #tpu.memory_space<hbm>> -> memref<6656xi32, #tpu.memory_space<hbm>>
      %dma_wait3A_74 = tpu.memref_slice %arg2[%mul3A_4] : memref<212992xi32, #tpu.memory_space<hbm>> -> memref<6656xi32, #tpu.memory_space<hbm>>
      tpu.wait_dma2 semaphore(%run_scoped3A : memref<!tpu.dma_semaphore, #tpu.memory_space<semaphore_mem>>) src(%dma_wait3A_74 : memref<6656xi32, #tpu.memory_space<hbm>>) dst(%arg7 : memref<6656xi32, #tpu.memory_space<vmem>>)
      tpu.yield
    }) : () -> ()
    "tpu.region"() ({
      %run_scoped3A = tpu.sem_alloc : memref<!tpu.dma_semaphore, #tpu.memory_space<semaphore_mem>>
      tpu.enqueue_dma source(%arg4 : memref<416xf32, #tpu.memory_space<hbm>>) target(%arg9 : memref<416xf32, #tpu.memory_space<vmem>>) target_semaphore(%run_scoped3A : memref<!tpu.dma_semaphore, #tpu.memory_space<semaphore_mem>>)
      tpu.wait_dma2 semaphore(%run_scoped3A : memref<!tpu.dma_semaphore, #tpu.memory_space<semaphore_mem>>) src(%arg4 : memref<416xf32, #tpu.memory_space<hbm>>) dst(%arg9 : memref<416xf32, #tpu.memory_space<vmem>>)
      tpu.yield
    }) : () -> ()
    "tpu.region"() ({
      %run_scoped3A = tpu.sem_alloc : memref<!tpu.dma_semaphore, #tpu.memory_space<semaphore_mem>>
      tpu.enqueue_dma source(%arg5 : memref<16xf32, #tpu.memory_space<hbm>>) target(%arg10 : memref<16xf32, #tpu.memory_space<vmem>>) target_semaphore(%run_scoped3A : memref<!tpu.dma_semaphore, #tpu.memory_space<semaphore_mem>>)
      tpu.wait_dma2 semaphore(%run_scoped3A : memref<!tpu.dma_semaphore, #tpu.memory_space<semaphore_mem>>) src(%arg5 : memref<16xf32, #tpu.memory_space<hbm>>) dst(%arg10 : memref<16xf32, #tpu.memory_space<vmem>>)
      tpu.yield
    }) : () -> ()
    %dma_start3A = arith.constant 0 : i32
    %dma_start3A_5 = arith.constant 0 : i32
    %dma_start3A_6 = tpu.memref_slice %arg3[%dma_start3A, %dma_start3A_5] : memref<8000000x16xf32, #tpu.memory_space<hbm>> -> memref<8000000x16xf32, #tpu.memory_space<hbm>>
    tpu.enqueue_indirect_dma source(%dma_start3A_6 : memref<8000000x16xf32, #tpu.memory_space<hbm>>) target(%arg8 : memref<6656x16xf32, #tpu.memory_space<vmem>>) offsets(%arg7 : memref<6656xi32, #tpu.memory_space<vmem>>) semaphore(%arg12 : memref<!tpu.dma_semaphore, #tpu.memory_space<semaphore_mem>>)
    %dma_wait3A = arith.constant 0 : i32
    %dma_wait3A_7 = arith.constant 0 : i32
    %dma_wait3A_8 = tpu.memref_slice %arg3[%dma_wait3A, %dma_wait3A_7] : memref<8000000x16xf32, #tpu.memory_space<hbm>> -> memref<8000000x16xf32, #tpu.memory_space<hbm>>
    tpu.wait_indirect_dma semaphore(%arg12 : memref<!tpu.dma_semaphore, #tpu.memory_space<semaphore_mem>>) src(%dma_wait3A_8 : memref<8000000x16xf32, #tpu.memory_space<hbm>>) dst(%arg8 : memref<6656x16xf32, #tpu.memory_space<vmem>>)
    %get3A = arith.constant 0 : index
    %get3A_9 = tpu.vector_load %arg9[%get3A] {strides = array<i32>} : memref<416xf32, #tpu.memory_space<vmem>>, vector<16xf32>,
    %get3A_10 = arith.constant 16 : index
    %get3A_11 = tpu.vector_load %arg9[%get3A_10] {strides = array<i32>} : memref<416xf32, #tpu.memory_space<vmem>>, vector<16xf32>,
    %get3A_12 = arith.constant 32 : index
    %get3A_13 = tpu.vector_load %arg9[%get3A_12] {strides = array<i32>} : memref<416xf32, #tpu.memory_space<vmem>>, vector<16xf32>,
    %get3A_14 = arith.constant 48 : index
    %get3A_15 = tpu.vector_load %arg9[%get3A_14] {strides = array<i32>} : memref<416xf32, #tpu.memory_space<vmem>>, vector<16xf32>,
    %get3A_16 = arith.constant 64 : index
    %get3A_17 = tpu.vector_load %arg9[%get3A_16] {strides = array<i32>} : memref<416xf32, #tpu.memory_space<vmem>>, vector<16xf32>,
    %get3A_18 = arith.constant 80 : index
    %get3A_19 = tpu.vector_load %arg9[%get3A_18] {strides = array<i32>} : memref<416xf32, #tpu.memory_space<vmem>>, vector<16xf32>,
    %get3A_20 = arith.constant 96 : index
    %get3A_21 = tpu.vector_load %arg9[%get3A_20] {strides = array<i32>} : memref<416xf32, #tpu.memory_space<vmem>>, vector<16xf32>,
    %get3A_22 = arith.constant 112 : index
    %get3A_23 = tpu.vector_load %arg9[%get3A_22] {strides = array<i32>} : memref<416xf32, #tpu.memory_space<vmem>>, vector<16xf32>,
    %get3A_24 = arith.constant 128 : index
    %get3A_25 = tpu.vector_load %arg9[%get3A_24] {strides = array<i32>} : memref<416xf32, #tpu.memory_space<vmem>>, vector<16xf32>,
    %get3A_26 = arith.constant 144 : index
    %get3A_27 = tpu.vector_load %arg9[%get3A_26] {strides = array<i32>} : memref<416xf32, #tpu.memory_space<vmem>>, vector<16xf32>,
    %get3A_28 = arith.constant 160 : index
    %get3A_29 = tpu.vector_load %arg9[%get3A_28] {strides = array<i32>} : memref<416xf32, #tpu.memory_space<vmem>>, vector<16xf32>,
    %get3A_30 = arith.constant 176 : index
    %get3A_31 = tpu.vector_load %arg9[%get3A_30] {strides = array<i32>} : memref<416xf32, #tpu.memory_space<vmem>>, vector<16xf32>,
    %get3A_32 = arith.constant 192 : index
    %get3A_33 = tpu.vector_load %arg9[%get3A_32] {strides = array<i32>} : memref<416xf32, #tpu.memory_space<vmem>>, vector<16xf32>,
    %get3A_34 = arith.constant 208 : index
    %get3A_35 = tpu.vector_load %arg9[%get3A_34] {strides = array<i32>} : memref<416xf32, #tpu.memory_space<vmem>>, vector<16xf32>,
    %get3A_36 = arith.constant 224 : index
    %get3A_37 = tpu.vector_load %arg9[%get3A_36] {strides = array<i32>} : memref<416xf32, #tpu.memory_space<vmem>>, vector<16xf32>,
    %get3A_38 = arith.constant 240 : index
    %get3A_39 = tpu.vector_load %arg9[%get3A_38] {strides = array<i32>} : memref<416xf32, #tpu.memory_space<vmem>>, vector<16xf32>,
    %get3A_40 = arith.constant 256 : index
    %get3A_41 = tpu.vector_load %arg9[%get3A_40] {strides = array<i32>} : memref<416xf32, #tpu.memory_space<vmem>>, vector<16xf32>,
    %get3A_42 = arith.constant 272 : index
    %get3A_43 = tpu.vector_load %arg9[%get3A_42] {strides = array<i32>} : memref<416xf32, #tpu.memory_space<vmem>>, vector<16xf32>,
    %get3A_44 = arith.constant 288 : index
    %get3A_45 = tpu.vector_load %arg9[%get3A_44] {strides = array<i32>} : memref<416xf32, #tpu.memory_space<vmem>>, vector<16xf32>,
    %get3A_46 = arith.constant 304 : index
    %get3A_47 = tpu.vector_load %arg9[%get3A_46] {strides = array<i32>} : memref<416xf32, #tpu.memory_space<vmem>>, vector<16xf32>,
    %get3A_48 = arith.constant 320 : index
    %get3A_49 = tpu.vector_load %arg9[%get3A_48] {strides = array<i32>} : memref<416xf32, #tpu.memory_space<vmem>>, vector<16xf32>,
    %get3A_50 = arith.constant 336 : index
    %get3A_51 = tpu.vector_load %arg9[%get3A_50] {strides = array<i32>} : memref<416xf32, #tpu.memory_space<vmem>>, vector<16xf32>,
    %get3A_52 = arith.constant 352 : index
    %get3A_53 = tpu.vector_load %arg9[%get3A_52] {strides = array<i32>} : memref<416xf32, #tpu.memory_space<vmem>>, vector<16xf32>,
    %get3A_54 = arith.constant 368 : index
    %get3A_55 = tpu.vector_load %arg9[%get3A_54] {strides = array<i32>} : memref<416xf32, #tpu.memory_space<vmem>>, vector<16xf32>,
    %get3A_56 = arith.constant 384 : index
    %get3A_57 = tpu.vector_load %arg9[%get3A_56] {strides = array<i32>} : memref<416xf32, #tpu.memory_space<vmem>>, vector<16xf32>,
    %get3A_58 = arith.constant 400 : index
    %get3A_59 = tpu.vector_load %arg9[%get3A_58] {strides = array<i32>} : memref<416xf32, #tpu.memory_space<vmem>>, vector<16xf32>,
    %get3A_60 = arith.constant 0 : index
    %get3A_61 = tpu.vector_load %arg10[%get3A_60] {strides = array<i32>} : memref<16xf32, #tpu.memory_space<vmem>>, vector<16xf32>,
    %slice3A = vector.extract_strided_slice %get3A_61 {offsets = [0], sizes = [1], strides = [1]} : vector<16xf32> to vector<1xf32>
    %squeeze3A = vector.extract %slice3A[0] : f32 from vector<1xf32>
    %slice3A_62 = vector.extract_strided_slice %get3A_61 {offsets = [1], sizes = [1], strides = [1]} : vector<16xf32> to vector<1xf32>
    %squeeze3A_63 = vector.extract %slice3A_62[0] : f32 from vector<1xf32>
    %iota3A = tpu.iota {dimensions = array<i32: 0>} : vector<16xi32>
    %scan3A = arith.constant 0 : i32
    %scan3A_64 = arith.constant 0 : i32
    %scan3A_65 = arith.constant 64 : i32
    %scan3A_66 = arith.addi %scan3A_64, %scan3A_65 : i32
    %scan3A_67 = arith.constant 1 : i32
    scf.for %scan3A_71 = %scan3A_64 to %scan3A_66 step %scan3A_67  : i32 {
      %broadcast_in_dim3A = arith.constant 0.000000e+00 : f32
      %broadcast_in_dim3A_72 = vector.broadcast %broadcast_in_dim3A : f32 to vector<16xf32>
      %mul3A_73 = arith.constant 8 : i32
      %mul3A_74 = arith.muli %scan3A_71, %mul3A_73 : i32
      %add3A_75 = arith.constant 0 : i32
      %add3A_76 = arith.addi %mul3A_74, %add3A_75 : i32
      %mul3A_77 = arith.constant 13 : i32
      %mul3A_78 = arith.muli %add3A_76, %mul3A_77 : i32
      %get3A_79 = arith.index_cast %mul3A_78 : i32 to index
      %get3A_80 = arith.constant 0 : index
      %get3A_81 = tpu.vector_load %arg8[%get3A_79, %get3A_80] {strides = array<i32>} : memref<6656x16xf32, #tpu.memory_space<vmem>>, vector<16xf32>,
      %mul3A_82 = arith.mulf %get3A_81, %get3A_9 : vector<16xf32>
      %mul3A_83 = arith.mulf %get3A_81, %get3A_35 : vector<16xf32>
      %add3A_84 = arith.constant 1 : i32
      %add3A_85 = arith.addi %mul3A_78, %add3A_84 : i32
      %get3A_86 = arith.index_cast %add3A_85 : i32 to index
      %get3A_87 = arith.constant 0 : index
      %get3A_88 = tpu.vector_load %arg8[%get3A_86, %get3A_87] {strides = array<i32>} : memref<6656x16xf32, #tpu.memory_space<vmem>>, vector<16xf32>,
      %mul3A_89 = arith.mulf %get3A_88, %get3A_11 : vector<16xf32>
      %add3A_90 = arith.addf %mul3A_82, %mul3A_89 : vector<16xf32>
      %mul3A_91 = arith.mulf %get3A_88, %get3A_37 : vector<16xf32>
      %add3A_92 = arith.addf %mul3A_83, %mul3A_91 : vector<16xf32>
      %add3A_93 = arith.constant 2 : i32
      %add3A_94 = arith.addi %mul3A_78, %add3A_93 : i32
      %get3A_95 = arith.index_cast %add3A_94 : i32 to index
      %get3A_96 = arith.constant 0 : index
      %get3A_97 = tpu.vector_load %arg8[%get3A_95, %get3A_96] {strides = array<i32>} : memref<6656x16xf32, #tpu.memory_space<vmem>>, vector<16xf32>,
      %mul3A_98 = arith.mulf %get3A_97, %get3A_13 : vector<16xf32>
      %add3A_99 = arith.addf %add3A_90, %mul3A_98 : vector<16xf32>
      %mul3A_100 = arith.mulf %get3A_97, %get3A_39 : vector<16xf32>
      %add3A_101 = arith.addf %add3A_92, %mul3A_100 : vector<16xf32>
      %add3A_102 = arith.constant 3 : i32
      %add3A_103 = arith.addi %mul3A_78, %add3A_102 : i32
      %get3A_104 = arith.index_cast %add3A_103 : i32 to index
      %get3A_105 = arith.constant 0 : index
      %get3A_106 = tpu.vector_load %arg8[%get3A_104, %get3A_105] {strides = array<i32>} : memref<6656x16xf32, #tpu.memory_space<vmem>>, vector<16xf32>,
      %mul3A_107 = arith.mulf %get3A_106, %get3A_15 : vector<16xf32>
      %add3A_108 = arith.addf %add3A_99, %mul3A_107 : vector<16xf32>
      %mul3A_109 = arith.mulf %get3A_106, %get3A_41 : vector<16xf32>
      %add3A_110 = arith.addf %add3A_101, %mul3A_109 : vector<16xf32>
      %add3A_111 = arith.constant 4 : i32
      %add3A_112 = arith.addi %mul3A_78, %add3A_111 : i32
      %get3A_113 = arith.index_cast %add3A_112 : i32 to index
      %get3A_114 = arith.constant 0 : index
      %get3A_115 = tpu.vector_load %arg8[%get3A_113, %get3A_114] {strides = array<i32>} : memref<6656x16xf32, #tpu.memory_space<vmem>>, vector<16xf32>,
      %mul3A_116 = arith.mulf %get3A_115, %get3A_17 : vector<16xf32>
      %add3A_117 = arith.addf %add3A_108, %mul3A_116 : vector<16xf32>
      %mul3A_118 = arith.mulf %get3A_115, %get3A_43 : vector<16xf32>
      %add3A_119 = arith.addf %add3A_110, %mul3A_118 : vector<16xf32>
      %add3A_120 = arith.constant 5 : i32
      %add3A_121 = arith.addi %mul3A_78, %add3A_120 : i32
      %get3A_122 = arith.index_cast %add3A_121 : i32 to index
      %get3A_123 = arith.constant 0 : index
      %get3A_124 = tpu.vector_load %arg8[%get3A_122, %get3A_123] {strides = array<i32>} : memref<6656x16xf32, #tpu.memory_space<vmem>>, vector<16xf32>,
      %mul3A_125 = arith.mulf %get3A_124, %get3A_19 : vector<16xf32>
      %add3A_126 = arith.addf %add3A_117, %mul3A_125 : vector<16xf32>
      %mul3A_127 = arith.mulf %get3A_124, %get3A_45 : vector<16xf32>
      %add3A_128 = arith.addf %add3A_119, %mul3A_127 : vector<16xf32>
      %add3A_129 = arith.constant 6 : i32
      %add3A_130 = arith.addi %mul3A_78, %add3A_129 : i32
      %get3A_131 = arith.index_cast %add3A_130 : i32 to index
      %get3A_132 = arith.constant 0 : index
      %get3A_133 = tpu.vector_load %arg8[%get3A_131, %get3A_132] {strides = array<i32>} : memref<6656x16xf32, #tpu.memory_space<vmem>>, vector<16xf32>,
      %mul3A_134 = arith.mulf %get3A_133, %get3A_21 : vector<16xf32>
      %add3A_135 = arith.addf %add3A_126, %mul3A_134 : vector<16xf32>
      %mul3A_136 = arith.mulf %get3A_133, %get3A_47 : vector<16xf32>
      %add3A_137 = arith.addf %add3A_128, %mul3A_136 : vector<16xf32>
      %add3A_138 = arith.constant 7 : i32
      %add3A_139 = arith.addi %mul3A_78, %add3A_138 : i32
      %get3A_140 = arith.index_cast %add3A_139 : i32 to index
      %get3A_141 = arith.constant 0 : index
      %get3A_142 = tpu.vector_load %arg8[%get3A_140, %get3A_141] {strides = array<i32>} : memref<6656x16xf32, #tpu.memory_space<vmem>>, vector<16xf32>,
      %mul3A_143 = arith.mulf %get3A_142, %get3A_23 : vector<16xf32>
      %add3A_144 = arith.addf %add3A_135, %mul3A_143 : vector<16xf32>
      %mul3A_145 = arith.mulf %get3A_142, %get3A_49 : vector<16xf32>
      %add3A_146 = arith.addf %add3A_137, %mul3A_145 : vector<16xf32>
      %add3A_147 = arith.constant 8 : i32
      %add3A_148 = arith.addi %mul3A_78, %add3A_147 : i32
      %get3A_149 = arith.index_cast %add3A_148 : i32 to index
      %get3A_150 = arith.constant 0 : index
      %get3A_151 = tpu.vector_load %arg8[%get3A_149, %get3A_150] {strides = array<i32>} : memref<6656x16xf32, #tpu.memory_space<vmem>>, vector<16xf32>,
      %mul3A_152 = arith.mulf %get3A_151, %get3A_25 : vector<16xf32>
      %add3A_153 = arith.addf %add3A_144, %mul3A_152 : vector<16xf32>
      %mul3A_154 = arith.mulf %get3A_151, %get3A_51 : vector<16xf32>
      %add3A_155 = arith.addf %add3A_146, %mul3A_154 : vector<16xf32>
      %add3A_156 = arith.constant 9 : i32
      %add3A_157 = arith.addi %mul3A_78, %add3A_156 : i32
      %get3A_158 = arith.index_cast %add3A_157 : i32 to index
      %get3A_159 = arith.constant 0 : index
      %get3A_160 = tpu.vector_load %arg8[%get3A_158, %get3A_159] {strides = array<i32>} : memref<6656x16xf32, #tpu.memory_space<vmem>>, vector<16xf32>,
      %mul3A_161 = arith.mulf %get3A_160, %get3A_27 : vector<16xf32>
      %add3A_162 = arith.addf %add3A_153, %mul3A_161 : vector<16xf32>
      %mul3A_163 = arith.mulf %get3A_160, %get3A_53 : vector<16xf32>
      %add3A_164 = arith.addf %add3A_155, %mul3A_163 : vector<16xf32>
      %add3A_165 = arith.constant 10 : i32
      %add3A_166 = arith.addi %mul3A_78, %add3A_165 : i32
      %get3A_167 = arith.index_cast %add3A_166 : i32 to index
      %get3A_168 = arith.constant 0 : index
      %get3A_169 = tpu.vector_load %arg8[%get3A_167, %get3A_168] {strides = array<i32>} : memref<6656x16xf32, #tpu.memory_space<vmem>>, vector<16xf32>,
      %mul3A_170 = arith.mulf %get3A_169, %get3A_29 : vector<16xf32>
      %add3A_171 = arith.addf %add3A_162, %mul3A_170 : vector<16xf32>
      %mul3A_172 = arith.mulf %get3A_169, %get3A_55 : vector<16xf32>
      %add3A_173 = arith.addf %add3A_164, %mul3A_172 : vector<16xf32>
      %add3A_174 = arith.constant 11 : i32
      %add3A_175 = arith.addi %mul3A_78, %add3A_174 : i32
      %get3A_176 = arith.index_cast %add3A_175 : i32 to index
      %get3A_177 = arith.constant 0 : index
      %get3A_178 = tpu.vector_load %arg8[%get3A_176, %get3A_177] {strides = array<i32>} : memref<6656x16xf32, #tpu.memory_space<vmem>>, vector<16xf32>,
      %mul3A_179 = arith.mulf %get3A_178, %get3A_31 : vector<16xf32>
      %add3A_180 = arith.addf %add3A_171, %mul3A_179 : vector<16xf32>
      %mul3A_181 = arith.mulf %get3A_178, %get3A_57 : vector<16xf32>
      %add3A_182 = arith.addf %add3A_173, %mul3A_181 : vector<16xf32>
      %add3A_183 = arith.constant 12 : i32
      %add3A_184 = arith.addi %mul3A_78, %add3A_183 : i32
      %get3A_185 = arith.index_cast %add3A_184 : i32 to index
      %get3A_186 = arith.constant 0 : index
      %get3A_187 = tpu.vector_load %arg8[%get3A_185, %get3A_186] {strides = array<i32>} : memref<6656x16xf32, #tpu.memory_space<vmem>>, vector<16xf32>,
      %mul3A_188 = arith.mulf %get3A_187, %get3A_33 : vector<16xf32>
      %add3A_189 = arith.addf %add3A_180, %mul3A_188 : vector<16xf32>
      %mul3A_190 = arith.mulf %get3A_187, %get3A_59 : vector<16xf32>
      %add3A_191 = arith.addf %add3A_182, %mul3A_190 : vector<16xf32>
      %reduce_sum3A = arith.constant true
      %reduce_sum3A_192 = vector.broadcast %reduce_sum3A : i1 to vector<16xi1>
      %reduce_sum3A_193 = tpu.scan <sum>, %add3A_189 masked %reduce_sum3A_192 : vector<16xf32>, vector<16xi1> -> vector<16xf32>
      %reduce_sum3A_194 = vector.extract %reduce_sum3A_193[15] : f32 from vector<16xf32>
      %add3A_195 = arith.addf %reduce_sum3A_194, %squeeze3A : f32
      %reduce_sum3A_196 = arith.constant true
      %reduce_sum3A_197 = vector.broadcast %reduce_sum3A_196 : i1 to vector<16xi1>
      %reduce_sum3A_198 = tpu.scan <sum>, %add3A_191 masked %reduce_sum3A_197 : vector<16xf32>, vector<16xi1> -> vector<16xf32>
      %reduce_sum3A_199 = vector.extract %reduce_sum3A_198[15] : f32 from vector<16xf32>
      %add3A_200 = arith.addf %reduce_sum3A_199, %squeeze3A_63 : f32
      %eq3A = arith.constant 0 : i32
      %eq3A_201 = vector.broadcast %eq3A : i32 to vector<16xi32>
      %eq3A_202 = arith.cmpi eq, %iota3A, %eq3A_201 : vector<16xi32>
      %broadcast_in_dim3A_203 = vector.broadcast %add3A_195 : f32 to vector<16xf32>
      %select_n3A = arith.select %eq3A_202, %broadcast_in_dim3A_203, %broadcast_in_dim3A_72 : vector<16xi1>, vector<16xf32>
      %eq3A_204 = arith.constant 1 : i32
      %eq3A_205 = vector.broadcast %eq3A_204 : i32 to vector<16xi32>
      %eq3A_206 = arith.cmpi eq, %iota3A, %eq3A_205 : vector<16xi32>
      %broadcast_in_dim3A_207 = vector.broadcast %add3A_200 : f32 to vector<16xf32>
      %select_n3A_208 = arith.select %eq3A_206, %broadcast_in_dim3A_207, %select_n3A : vector<16xi1>, vector<16xf32>
      %mul3A_209 = arith.constant 8 : i32
      %mul3A_210 = arith.muli %scan3A_71, %mul3A_209 : i32
      %add3A_211 = arith.constant 1 : i32
      %add3A_212 = arith.addi %mul3A_210, %add3A_211 : i32
      %mul3A_213 = arith.constant 13 : i32
      %mul3A_214 = arith.muli %add3A_212, %mul3A_213 : i32
      %get3A_215 = arith.index_cast %mul3A_214 : i32 to index
      %get3A_216 = arith.constant 0 : index
      %get3A_217 = tpu.vector_load %arg8[%get3A_215, %get3A_216] {strides = array<i32>} : memref<6656x16xf32, #tpu.memory_space<vmem>>, vector<16xf32>,
      %mul3A_218 = arith.mulf %get3A_217, %get3A_9 : vector<16xf32>
      %mul3A_219 = arith.mulf %get3A_217, %get3A_35 : vector<16xf32>
      %add3A_220 = arith.constant 1 : i32
      %add3A_221 = arith.addi %mul3A_214, %add3A_220 : i32
      %get3A_222 = arith.index_cast %add3A_221 : i32 to index
      %get3A_223 = arith.constant 0 : index
      %get3A_224 = tpu.vector_load %arg8[%get3A_222, %get3A_223] {strides = array<i32>} : memref<6656x16xf32, #tpu.memory_space<vmem>>, vector<16xf32>,
      %mul3A_225 = arith.mulf %get3A_224, %get3A_11 : vector<16xf32>
      %add3A_226 = arith.addf %mul3A_218, %mul3A_225 : vector<16xf32>
      %mul3A_227 = arith.mulf %get3A_224, %get3A_37 : vector<16xf32>
      %add3A_228 = arith.addf %mul3A_219, %mul3A_227 : vector<16xf32>
      %add3A_229 = arith.constant 2 : i32
      %add3A_230 = arith.addi %mul3A_214, %add3A_229 : i32
      %get3A_231 = arith.index_cast %add3A_230 : i32 to index
      %get3A_232 = arith.constant 0 : index
      %get3A_233 = tpu.vector_load %arg8[%get3A_231, %get3A_232] {strides = array<i32>} : memref<6656x16xf32, #tpu.memory_space<vmem>>, vector<16xf32>,
      %mul3A_234 = arith.mulf %get3A_233, %get3A_13 : vector<16xf32>
      %add3A_235 = arith.addf %add3A_226, %mul3A_234 : vector<16xf32>
      %mul3A_236 = arith.mulf %get3A_233, %get3A_39 : vector<16xf32>
      %add3A_237 = arith.addf %add3A_228, %mul3A_236 : vector<16xf32>
      %add3A_238 = arith.constant 3 : i32
      %add3A_239 = arith.addi %mul3A_214, %add3A_238 : i32
      %get3A_240 = arith.index_cast %add3A_239 : i32 to index
      %get3A_241 = arith.constant 0 : index
      %get3A_242 = tpu.vector_load %arg8[%get3A_240, %get3A_241] {strides = array<i32>} : memref<6656x16xf32, #tpu.memory_space<vmem>>, vector<16xf32>,
      %mul3A_243 = arith.mulf %get3A_242, %get3A_15 : vector<16xf32>
      %add3A_244 = arith.addf %add3A_235, %mul3A_243 : vector<16xf32>
      %mul3A_245 = arith.mulf %get3A_242, %get3A_41 : vector<16xf32>
      %add3A_246 = arith.addf %add3A_237, %mul3A_245 : vector<16xf32>
      %add3A_247 = arith.constant 4 : i32
      %add3A_248 = arith.addi %mul3A_214, %add3A_247 : i32
      %get3A_249 = arith.index_cast %add3A_248 : i32 to index
      %get3A_250 = arith.constant 0 : index
      %get3A_251 = tpu.vector_load %arg8[%get3A_249, %get3A_250] {strides = array<i32>} : memref<6656x16xf32, #tpu.memory_space<vmem>>, vector<16xf32>,
      %mul3A_252 = arith.mulf %get3A_251, %get3A_17 : vector<16xf32>
      %add3A_253 = arith.addf %add3A_244, %mul3A_252 : vector<16xf32>
      %mul3A_254 = arith.mulf %get3A_251, %get3A_43 : vector<16xf32>
      %add3A_255 = arith.addf %add3A_246, %mul3A_254 : vector<16xf32>
      %add3A_256 = arith.constant 5 : i32
      %add3A_257 = arith.addi %mul3A_214, %add3A_256 : i32
      %get3A_258 = arith.index_cast %add3A_257 : i32 to index
      %get3A_259 = arith.constant 0 : index
      %get3A_260 = tpu.vector_load %arg8[%get3A_258, %get3A_259] {strides = array<i32>} : memref<6656x16xf32, #tpu.memory_space<vmem>>, vector<16xf32>,
      %mul3A_261 = arith.mulf %get3A_260, %get3A_19 : vector<16xf32>
      %add3A_262 = arith.addf %add3A_253, %mul3A_261 : vector<16xf32>
      %mul3A_263 = arith.mulf %get3A_260, %get3A_45 : vector<16xf32>
      %add3A_264 = arith.addf %add3A_255, %mul3A_263 : vector<16xf32>
      %add3A_265 = arith.constant 6 : i32
      %add3A_266 = arith.addi %mul3A_214, %add3A_265 : i32
      %get3A_267 = arith.index_cast %add3A_266 : i32 to index
      %get3A_268 = arith.constant 0 : index
      %get3A_269 = tpu.vector_load %arg8[%get3A_267, %get3A_268] {strides = array<i32>} : memref<6656x16xf32, #tpu.memory_space<vmem>>, vector<16xf32>,
      %mul3A_270 = arith.mulf %get3A_269, %get3A_21 : vector<16xf32>
      %add3A_271 = arith.addf %add3A_262, %mul3A_270 : vector<16xf32>
      %mul3A_272 = arith.mulf %get3A_269, %get3A_47 : vector<16xf32>
      %add3A_273 = arith.addf %add3A_264, %mul3A_272 : vector<16xf32>
      %add3A_274 = arith.constant 7 : i32
      %add3A_275 = arith.addi %mul3A_214, %add3A_274 : i32
      %get3A_276 = arith.index_cast %add3A_275 : i32 to index
      %get3A_277 = arith.constant 0 : index
      %get3A_278 = tpu.vector_load %arg8[%get3A_276, %get3A_277] {strides = array<i32>} : memref<6656x16xf32, #tpu.memory_space<vmem>>, vector<16xf32>,
      %mul3A_279 = arith.mulf %get3A_278, %get3A_23 : vector<16xf32>
      %add3A_280 = arith.addf %add3A_271, %mul3A_279 : vector<16xf32>
      %mul3A_281 = arith.mulf %get3A_278, %get3A_49 : vector<16xf32>
      %add3A_282 = arith.addf %add3A_273, %mul3A_281 : vector<16xf32>
      %add3A_283 = arith.constant 8 : i32
      %add3A_284 = arith.addi %mul3A_214, %add3A_283 : i32
      %get3A_285 = arith.index_cast %add3A_284 : i32 to index
      %get3A_286 = arith.constant 0 : index
      %get3A_287 = tpu.vector_load %arg8[%get3A_285, %get3A_286] {strides = array<i32>} : memref<6656x16xf32, #tpu.memory_space<vmem>>, vector<16xf32>,
      %mul3A_288 = arith.mulf %get3A_287, %get3A_25 : vector<16xf32>
      %add3A_289 = arith.addf %add3A_280, %mul3A_288 : vector<16xf32>
      %mul3A_290 = arith.mulf %get3A_287, %get3A_51 : vector<16xf32>
      %add3A_291 = arith.addf %add3A_282, %mul3A_290 : vector<16xf32>
      %add3A_292 = arith.constant 9 : i32
      %add3A_293 = arith.addi %mul3A_214, %add3A_292 : i32
      %get3A_294 = arith.index_cast %add3A_293 : i32 to index
      %get3A_295 = arith.constant 0 : index
      %get3A_296 = tpu.vector_load %arg8[%get3A_294, %get3A_295] {strides = array<i32>} : memref<6656x16xf32, #tpu.memory_space<vmem>>, vector<16xf32>,
      %mul3A_297 = arith.mulf %get3A_296, %get3A_27 : vector<16xf32>
      %add3A_298 = arith.addf %add3A_289, %mul3A_297 : vector<16xf32>
      %mul3A_299 = arith.mulf %get3A_296, %get3A_53 : vector<16xf32>
      %add3A_300 = arith.addf %add3A_291, %mul3A_299 : vector<16xf32>
      %add3A_301 = arith.constant 10 : i32
      %add3A_302 = arith.addi %mul3A_214, %add3A_301 : i32
      %get3A_303 = arith.index_cast %add3A_302 : i32 to index
      %get3A_304 = arith.constant 0 : index
      %get3A_305 = tpu.vector_load %arg8[%get3A_303, %get3A_304] {strides = array<i32>} : memref<6656x16xf32, #tpu.memory_space<vmem>>, vector<16xf32>,
      %mul3A_306 = arith.mulf %get3A_305, %get3A_29 : vector<16xf32>
      %add3A_307 = arith.addf %add3A_298, %mul3A_306 : vector<16xf32>
      %mul3A_308 = arith.mulf %get3A_305, %get3A_55 : vector<16xf32>
      %add3A_309 = arith.addf %add3A_300, %mul3A_308 : vector<16xf32>
      %add3A_310 = arith.constant 11 : i32
      %add3A_311 = arith.addi %mul3A_214, %add3A_310 : i32
      %get3A_312 = arith.index_cast %add3A_311 : i32 to index
      %get3A_313 = arith.constant 0 : index
      %get3A_314 = tpu.vector_load %arg8[%get3A_312, %get3A_313] {strides = array<i32>} : memref<6656x16xf32, #tpu.memory_space<vmem>>, vector<16xf32>,
      %mul3A_315 = arith.mulf %get3A_314, %get3A_31 : vector<16xf32>
      %add3A_316 = arith.addf %add3A_307, %mul3A_315 : vector<16xf32>
      %mul3A_317 = arith.mulf %get3A_314, %get3A_57 : vector<16xf32>
      %add3A_318 = arith.addf %add3A_309, %mul3A_317 : vector<16xf32>
      %add3A_319 = arith.constant 12 : i32
      %add3A_320 = arith.addi %mul3A_214, %add3A_319 : i32
      %get3A_321 = arith.index_cast %add3A_320 : i32 to index
      %get3A_322 = arith.constant 0 : index
      %get3A_323 = tpu.vector_load %arg8[%get3A_321, %get3A_322] {strides = array<i32>} : memref<6656x16xf32, #tpu.memory_space<vmem>>, vector<16xf32>,
      %mul3A_324 = arith.mulf %get3A_323, %get3A_33 : vector<16xf32>
      %add3A_325 = arith.addf %add3A_316, %mul3A_324 : vector<16xf32>
      %mul3A_326 = arith.mulf %get3A_323, %get3A_59 : vector<16xf32>
      %add3A_327 = arith.addf %add3A_318, %mul3A_326 : vector<16xf32>
      %reduce_sum3A_328 = arith.constant true
      %reduce_sum3A_329 = vector.broadcast %reduce_sum3A_328 : i1 to vector<16xi1>
      %reduce_sum3A_330 = tpu.scan <sum>, %add3A_325 masked %reduce_sum3A_329 : vector<16xf32>, vector<16xi1> -> vector<16xf32>
      %reduce_sum3A_331 = vector.extract %reduce_sum3A_330[15] : f32 from vector<16xf32>
      %add3A_332 = arith.addf %reduce_sum3A_331, %squeeze3A : f32
      %reduce_sum3A_333 = arith.constant true
      %reduce_sum3A_334 = vector.broadcast %reduce_sum3A_333 : i1 to vector<16xi1>
      %reduce_sum3A_335 = tpu.scan <sum>, %add3A_327 masked %reduce_sum3A_334 : vector<16xf32>, vector<16xi1> -> vector<16xf32>
      %reduce_sum3A_336 = vector.extract %reduce_sum3A_335[15] : f32 from vector<16xf32>
      %add3A_337 = arith.addf %reduce_sum3A_336, %squeeze3A_63 : f32
      %eq3A_338 = arith.constant 2 : i32
      %eq3A_339 = vector.broadcast %eq3A_338 : i32 to vector<16xi32>
      %eq3A_340 = arith.cmpi eq, %iota3A, %eq3A_339 : vector<16xi32>
      %broadcast_in_dim3A_341 = vector.broadcast %add3A_332 : f32 to vector<16xf32>
      %select_n3A_342 = arith.select %eq3A_340, %broadcast_in_dim3A_341, %select_n3A_208 : vector<16xi1>, vector<16xf32>
      %eq3A_343 = arith.constant 3 : i32
      %eq3A_344 = vector.broadcast %eq3A_343 : i32 to vector<16xi32>
      %eq3A_345 = arith.cmpi eq, %iota3A, %eq3A_344 : vector<16xi32>
      %broadcast_in_dim3A_346 = vector.broadcast %add3A_337 : f32 to vector<16xf32>
      %select_n3A_347 = arith.select %eq3A_345, %broadcast_in_dim3A_346, %select_n3A_342 : vector<16xi1>, vector<16xf32>
      %mul3A_348 = arith.constant 8 : i32
      %mul3A_349 = arith.muli %scan3A_71, %mul3A_348 : i32
      %add3A_350 = arith.constant 2 : i32
      %add3A_351 = arith.addi %mul3A_349, %add3A_350 : i32
      %mul3A_352 = arith.constant 13 : i32
      %mul3A_353 = arith.muli %add3A_351, %mul3A_352 : i32
      %get3A_354 = arith.index_cast %mul3A_353 : i32 to index
      %get3A_355 = arith.constant 0 : index
      %get3A_356 = tpu.vector_load %arg8[%get3A_354, %get3A_355] {strides = array<i32>} : memref<6656x16xf32, #tpu.memory_space<vmem>>, vector<16xf32>,
      %mul3A_357 = arith.mulf %get3A_356, %get3A_9 : vector<16xf32>
      %mul3A_358 = arith.mulf %get3A_356, %get3A_35 : vector<16xf32>
      %add3A_359 = arith.constant 1 : i32
      %add3A_360 = arith.addi %mul3A_353, %add3A_359 : i32
      %get3A_361 = arith.index_cast %add3A_360 : i32 to index
      %get3A_362 = arith.constant 0 : index
      %get3A_363 = tpu.vector_load %arg8[%get3A_361, %get3A_362] {strides = array<i32>} : memref<6656x16xf32, #tpu.memory_space<vmem>>, vector<16xf32>,
      %mul3A_364 = arith.mulf %get3A_363, %get3A_11 : vector<16xf32>
      %add3A_365 = arith.addf %mul3A_357, %mul3A_364 : vector<16xf32>
      %mul3A_366 = arith.mulf %get3A_363, %get3A_37 : vector<16xf32>
      %add3A_367 = arith.addf %mul3A_358, %mul3A_366 : vector<16xf32>
      %add3A_368 = arith.constant 2 : i32
      %add3A_369 = arith.addi %mul3A_353, %add3A_368 : i32
      %get3A_370 = arith.index_cast %add3A_369 : i32 to index
      %get3A_371 = arith.constant 0 : index
      %get3A_372 = tpu.vector_load %arg8[%get3A_370, %get3A_371] {strides = array<i32>} : memref<6656x16xf32, #tpu.memory_space<vmem>>, vector<16xf32>,
      %mul3A_373 = arith.mulf %get3A_372, %get3A_13 : vector<16xf32>
      %add3A_374 = arith.addf %add3A_365, %mul3A_373 : vector<16xf32>
      %mul3A_375 = arith.mulf %get3A_372, %get3A_39 : vector<16xf32>
      %add3A_376 = arith.addf %add3A_367, %mul3A_375 : vector<16xf32>
      %add3A_377 = arith.constant 3 : i32
      %add3A_378 = arith.addi %mul3A_353, %add3A_377 : i32
      %get3A_379 = arith.index_cast %add3A_378 : i32 to index
      %get3A_380 = arith.constant 0 : index
      %get3A_381 = tpu.vector_load %arg8[%get3A_379, %get3A_380] {strides = array<i32>} : memref<6656x16xf32, #tpu.memory_space<vmem>>, vector<16xf32>,
      %mul3A_382 = arith.mulf %get3A_381, %get3A_15 : vector<16xf32>
      %add3A_383 = arith.addf %add3A_374, %mul3A_382 : vector<16xf32>
      %mul3A_384 = arith.mulf %get3A_381, %get3A_41 : vector<16xf32>
      %add3A_385 = arith.addf %add3A_376, %mul3A_384 : vector<16xf32>
      %add3A_386 = arith.constant 4 : i32
      %add3A_387 = arith.addi %mul3A_353, %add3A_386 : i32
      %get3A_388 = arith.index_cast %add3A_387 : i32 to index
      %get3A_389 = arith.constant 0 : index
      %get3A_390 = tpu.vector_load %arg8[%get3A_388, %get3A_389] {strides = array<i32>} : memref<6656x16xf32, #tpu.memory_space<vmem>>, vector<16xf32>,
      %mul3A_391 = arith.mulf %get3A_390, %get3A_17 : vector<16xf32>
      %add3A_392 = arith.addf %add3A_383, %mul3A_391 : vector<16xf32>
      %mul3A_393 = arith.mulf %get3A_390, %get3A_43 : vector<16xf32>
      %add3A_394 = arith.addf %add3A_385, %mul3A_393 : vector<16xf32>
      %add3A_395 = arith.constant 5 : i32
      %add3A_396 = arith.addi %mul3A_353, %add3A_395 : i32
      %get3A_397 = arith.index_cast %add3A_396 : i32 to index
      %get3A_398 = arith.constant 0 : index
      %get3A_399 = tpu.vector_load %arg8[%get3A_397, %get3A_398] {strides = array<i32>} : memref<6656x16xf32, #tpu.memory_space<vmem>>, vector<16xf32>,
      %mul3A_400 = arith.mulf %get3A_399, %get3A_19 : vector<16xf32>
      %add3A_401 = arith.addf %add3A_392, %mul3A_400 : vector<16xf32>
      %mul3A_402 = arith.mulf %get3A_399, %get3A_45 : vector<16xf32>
      %add3A_403 = arith.addf %add3A_394, %mul3A_402 : vector<16xf32>
      %add3A_404 = arith.constant 6 : i32
      %add3A_405 = arith.addi %mul3A_353, %add3A_404 : i32
      %get3A_406 = arith.index_cast %add3A_405 : i32 to index
      %get3A_407 = arith.constant 0 : index
      %get3A_408 = tpu.vector_load %arg8[%get3A_406, %get3A_407] {strides = array<i32>} : memref<6656x16xf32, #tpu.memory_space<vmem>>, vector<16xf32>,
      %mul3A_409 = arith.mulf %get3A_408, %get3A_21 : vector<16xf32>
      %add3A_410 = arith.addf %add3A_401, %mul3A_409 : vector<16xf32>
      %mul3A_411 = arith.mulf %get3A_408, %get3A_47 : vector<16xf32>
      %add3A_412 = arith.addf %add3A_403, %mul3A_411 : vector<16xf32>
      %add3A_413 = arith.constant 7 : i32
      %add3A_414 = arith.addi %mul3A_353, %add3A_413 : i32
      %get3A_415 = arith.index_cast %add3A_414 : i32 to index
      %get3A_416 = arith.constant 0 : index
      %get3A_417 = tpu.vector_load %arg8[%get3A_415, %get3A_416] {strides = array<i32>} : memref<6656x16xf32, #tpu.memory_space<vmem>>, vector<16xf32>,
      %mul3A_418 = arith.mulf %get3A_417, %get3A_23 : vector<16xf32>
      %add3A_419 = arith.addf %add3A_410, %mul3A_418 : vector<16xf32>
      %mul3A_420 = arith.mulf %get3A_417, %get3A_49 : vector<16xf32>
      %add3A_421 = arith.addf %add3A_412, %mul3A_420 : vector<16xf32>
      %add3A_422 = arith.constant 8 : i32
      %add3A_423 = arith.addi %mul3A_353, %add3A_422 : i32
      %get3A_424 = arith.index_cast %add3A_423 : i32 to index
      %get3A_425 = arith.constant 0 : index
      %get3A_426 = tpu.vector_load %arg8[%get3A_424, %get3A_425] {strides = array<i32>} : memref<6656x16xf32, #tpu.memory_space<vmem>>, vector<16xf32>,
      %mul3A_427 = arith.mulf %get3A_426, %get3A_25 : vector<16xf32>
      %add3A_428 = arith.addf %add3A_419, %mul3A_427 : vector<16xf32>
      %mul3A_429 = arith.mulf %get3A_426, %get3A_51 : vector<16xf32>
      %add3A_430 = arith.addf %add3A_421, %mul3A_429 : vector<16xf32>
      %add3A_431 = arith.constant 9 : i32
      %add3A_432 = arith.addi %mul3A_353, %add3A_431 : i32
      %get3A_433 = arith.index_cast %add3A_432 : i32 to index
      %get3A_434 = arith.constant 0 : index
      %get3A_435 = tpu.vector_load %arg8[%get3A_433, %get3A_434] {strides = array<i32>} : memref<6656x16xf32, #tpu.memory_space<vmem>>, vector<16xf32>,
      %mul3A_436 = arith.mulf %get3A_435, %get3A_27 : vector<16xf32>
      %add3A_437 = arith.addf %add3A_428, %mul3A_436 : vector<16xf32>
      %mul3A_438 = arith.mulf %get3A_435, %get3A_53 : vector<16xf32>
      %add3A_439 = arith.addf %add3A_430, %mul3A_438 : vector<16xf32>
      %add3A_440 = arith.constant 10 : i32
      %add3A_441 = arith.addi %mul3A_353, %add3A_440 : i32
      %get3A_442 = arith.index_cast %add3A_441 : i32 to index
      %get3A_443 = arith.constant 0 : index
      %get3A_444 = tpu.vector_load %arg8[%get3A_442, %get3A_443] {strides = array<i32>} : memref<6656x16xf32, #tpu.memory_space<vmem>>, vector<16xf32>,
      %mul3A_445 = arith.mulf %get3A_444, %get3A_29 : vector<16xf32>
      %add3A_446 = arith.addf %add3A_437, %mul3A_445 : vector<16xf32>
      %mul3A_447 = arith.mulf %get3A_444, %get3A_55 : vector<16xf32>
      %add3A_448 = arith.addf %add3A_439, %mul3A_447 : vector<16xf32>
      %add3A_449 = arith.constant 11 : i32
      %add3A_450 = arith.addi %mul3A_353, %add3A_449 : i32
      %get3A_451 = arith.index_cast %add3A_450 : i32 to index
      %get3A_452 = arith.constant 0 : index
      %get3A_453 = tpu.vector_load %arg8[%get3A_451, %get3A_452] {strides = array<i32>} : memref<6656x16xf32, #tpu.memory_space<vmem>>, vector<16xf32>,
      %mul3A_454 = arith.mulf %get3A_453, %get3A_31 : vector<16xf32>
      %add3A_455 = arith.addf %add3A_446, %mul3A_454 : vector<16xf32>
      %mul3A_456 = arith.mulf %get3A_453, %get3A_57 : vector<16xf32>
      %add3A_457 = arith.addf %add3A_448, %mul3A_456 : vector<16xf32>
      %add3A_458 = arith.constant 12 : i32
      %add3A_459 = arith.addi %mul3A_353, %add3A_458 : i32
      %get3A_460 = arith.index_cast %add3A_459 : i32 to index
      %get3A_461 = arith.constant 0 : index
      %get3A_462 = tpu.vector_load %arg8[%get3A_460, %get3A_461] {strides = array<i32>} : memref<6656x16xf32, #tpu.memory_space<vmem>>, vector<16xf32>,
      %mul3A_463 = arith.mulf %get3A_462, %get3A_33 : vector<16xf32>
      %add3A_464 = arith.addf %add3A_455, %mul3A_463 : vector<16xf32>
      %mul3A_465 = arith.mulf %get3A_462, %get3A_59 : vector<16xf32>
      %add3A_466 = arith.addf %add3A_457, %mul3A_465 : vector<16xf32>
      %reduce_sum3A_467 = arith.constant true
      %reduce_sum3A_468 = vector.broadcast %reduce_sum3A_467 : i1 to vector<16xi1>
      %reduce_sum3A_469 = tpu.scan <sum>, %add3A_464 masked %reduce_sum3A_468 : vector<16xf32>, vector<16xi1> -> vector<16xf32>
      %reduce_sum3A_470 = vector.extract %reduce_sum3A_469[15] : f32 from vector<16xf32>
      %add3A_471 = arith.addf %reduce_sum3A_470, %squeeze3A : f32
      %reduce_sum3A_472 = arith.constant true
      %reduce_sum3A_473 = vector.broadcast %reduce_sum3A_472 : i1 to vector<16xi1>
      %reduce_sum3A_474 = tpu.scan <sum>, %add3A_466 masked %reduce_sum3A_473 : vector<16xf32>, vector<16xi1> -> vector<16xf32>
      %reduce_sum3A_475 = vector.extract %reduce_sum3A_474[15] : f32 from vector<16xf32>
      %add3A_476 = arith.addf %reduce_sum3A_475, %squeeze3A_63 : f32
      %eq3A_477 = arith.constant 4 : i32
      %eq3A_478 = vector.broadcast %eq3A_477 : i32 to vector<16xi32>
      %eq3A_479 = arith.cmpi eq, %iota3A, %eq3A_478 : vector<16xi32>
      %broadcast_in_dim3A_480 = vector.broadcast %add3A_471 : f32 to vector<16xf32>
      %select_n3A_481 = arith.select %eq3A_479, %broadcast_in_dim3A_480, %select_n3A_347 : vector<16xi1>, vector<16xf32>
      %eq3A_482 = arith.constant 5 : i32
      %eq3A_483 = vector.broadcast %eq3A_482 : i32 to vector<16xi32>
      %eq3A_484 = arith.cmpi eq, %iota3A, %eq3A_483 : vector<16xi32>
      %broadcast_in_dim3A_485 = vector.broadcast %add3A_476 : f32 to vector<16xf32>
      %select_n3A_486 = arith.select %eq3A_484, %broadcast_in_dim3A_485, %select_n3A_481 : vector<16xi1>, vector<16xf32>
      %mul3A_487 = arith.constant 8 : i32
      %mul3A_488 = arith.muli %scan3A_71, %mul3A_487 : i32
      %add3A_489 = arith.constant 3 : i32
      %add3A_490 = arith.addi %mul3A_488, %add3A_489 : i32
      %mul3A_491 = arith.constant 13 : i32
      %mul3A_492 = arith.muli %add3A_490, %mul3A_491 : i32
      %get3A_493 = arith.index_cast %mul3A_492 : i32 to index
      %get3A_494 = arith.constant 0 : index
      %get3A_495 = tpu.vector_load %arg8[%get3A_493, %get3A_494] {strides = array<i32>} : memref<6656x16xf32, #tpu.memory_space<vmem>>, vector<16xf32>,
      %mul3A_496 = arith.mulf %get3A_495, %get3A_9 : vector<16xf32>
      %mul3A_497 = arith.mulf %get3A_495, %get3A_35 : vector<16xf32>
      %add3A_498 = arith.constant 1 : i32
      %add3A_499 = arith.addi %mul3A_492, %add3A_498 : i32
      %get3A_500 = arith.index_cast %add3A_499 : i32 to index
      %get3A_501 = arith.constant 0 : index
      %get3A_502 = tpu.vector_load %arg8[%get3A_500, %get3A_501] {strides = array<i32>} : memref<6656x16xf32, #tpu.memory_space<vmem>>, vector<16xf32>,
      %mul3A_503 = arith.mulf %get3A_502, %get3A_11 : vector<16xf32>
      %add3A_504 = arith.addf %mul3A_496, %mul3A_503 : vector<16xf32>
      %mul3A_505 = arith.mulf %get3A_502, %get3A_37 : vector<16xf32>
      %add3A_506 = arith.addf %mul3A_497, %mul3A_505 : vector<16xf32>
      %add3A_507 = arith.constant 2 : i32
      %add3A_508 = arith.addi %mul3A_492, %add3A_507 : i32
      %get3A_509 = arith.index_cast %add3A_508 : i32 to index
      %get3A_510 = arith.constant 0 : index
      %get3A_511 = tpu.vector_load %arg8[%get3A_509, %get3A_510] {strides = array<i32>} : memref<6656x16xf32, #tpu.memory_space<vmem>>, vector<16xf32>,
      %mul3A_512 = arith.mulf %get3A_511, %get3A_13 : vector<16xf32>
      %add3A_513 = arith.addf %add3A_504, %mul3A_512 : vector<16xf32>
      %mul3A_514 = arith.mulf %get3A_511, %get3A_39 : vector<16xf32>
      %add3A_515 = arith.addf %add3A_506, %mul3A_514 : vector<16xf32>
      %add3A_516 = arith.constant 3 : i32
      %add3A_517 = arith.addi %mul3A_492, %add3A_516 : i32
      %get3A_518 = arith.index_cast %add3A_517 : i32 to index
      %get3A_519 = arith.constant 0 : index
      %get3A_520 = tpu.vector_load %arg8[%get3A_518, %get3A_519] {strides = array<i32>} : memref<6656x16xf32, #tpu.memory_space<vmem>>, vector<16xf32>,
      %mul3A_521 = arith.mulf %get3A_520, %get3A_15 : vector<16xf32>
      %add3A_522 = arith.addf %add3A_513, %mul3A_521 : vector<16xf32>
      %mul3A_523 = arith.mulf %get3A_520, %get3A_41 : vector<16xf32>
      %add3A_524 = arith.addf %add3A_515, %mul3A_523 : vector<16xf32>
      %add3A_525 = arith.constant 4 : i32
      %add3A_526 = arith.addi %mul3A_492, %add3A_525 : i32
      %get3A_527 = arith.index_cast %add3A_526 : i32 to index
      %get3A_528 = arith.constant 0 : index
      %get3A_529 = tpu.vector_load %arg8[%get3A_527, %get3A_528] {strides = array<i32>} : memref<6656x16xf32, #tpu.memory_space<vmem>>, vector<16xf32>,
      %mul3A_530 = arith.mulf %get3A_529, %get3A_17 : vector<16xf32>
      %add3A_531 = arith.addf %add3A_522, %mul3A_530 : vector<16xf32>
      %mul3A_532 = arith.mulf %get3A_529, %get3A_43 : vector<16xf32>
      %add3A_533 = arith.addf %add3A_524, %mul3A_532 : vector<16xf32>
      %add3A_534 = arith.constant 5 : i32
      %add3A_535 = arith.addi %mul3A_492, %add3A_534 : i32
      %get3A_536 = arith.index_cast %add3A_535 : i32 to index
      %get3A_537 = arith.constant 0 : index
      %get3A_538 = tpu.vector_load %arg8[%get3A_536, %get3A_537] {strides = array<i32>} : memref<6656x16xf32, #tpu.memory_space<vmem>>, vector<16xf32>,
      %mul3A_539 = arith.mulf %get3A_538, %get3A_19 : vector<16xf32>
      %add3A_540 = arith.addf %add3A_531, %mul3A_539 : vector<16xf32>
      %mul3A_541 = arith.mulf %get3A_538, %get3A_45 : vector<16xf32>
      %add3A_542 = arith.addf %add3A_533, %mul3A_541 : vector<16xf32>
      %add3A_543 = arith.constant 6 : i32
      %add3A_544 = arith.addi %mul3A_492, %add3A_543 : i32
      %get3A_545 = arith.index_cast %add3A_544 : i32 to index
      %get3A_546 = arith.constant 0 : index
      %get3A_547 = tpu.vector_load %arg8[%get3A_545, %get3A_546] {strides = array<i32>} : memref<6656x16xf32, #tpu.memory_space<vmem>>, vector<16xf32>,
      %mul3A_548 = arith.mulf %get3A_547, %get3A_21 : vector<16xf32>
      %add3A_549 = arith.addf %add3A_540, %mul3A_548 : vector<16xf32>
      %mul3A_550 = arith.mulf %get3A_547, %get3A_47 : vector<16xf32>
      %add3A_551 = arith.addf %add3A_542, %mul3A_550 : vector<16xf32>
      %add3A_552 = arith.constant 7 : i32
      %add3A_553 = arith.addi %mul3A_492, %add3A_552 : i32
      %get3A_554 = arith.index_cast %add3A_553 : i32 to index
      %get3A_555 = arith.constant 0 : index
      %get3A_556 = tpu.vector_load %arg8[%get3A_554, %get3A_555] {strides = array<i32>} : memref<6656x16xf32, #tpu.memory_space<vmem>>, vector<16xf32>,
      %mul3A_557 = arith.mulf %get3A_556, %get3A_23 : vector<16xf32>
      %add3A_558 = arith.addf %add3A_549, %mul3A_557 : vector<16xf32>
      %mul3A_559 = arith.mulf %get3A_556, %get3A_49 : vector<16xf32>
      %add3A_560 = arith.addf %add3A_551, %mul3A_559 : vector<16xf32>
      %add3A_561 = arith.constant 8 : i32
      %add3A_562 = arith.addi %mul3A_492, %add3A_561 : i32
      %get3A_563 = arith.index_cast %add3A_562 : i32 to index
      %get3A_564 = arith.constant 0 : index
      %get3A_565 = tpu.vector_load %arg8[%get3A_563, %get3A_564] {strides = array<i32>} : memref<6656x16xf32, #tpu.memory_space<vmem>>, vector<16xf32>,
      %mul3A_566 = arith.mulf %get3A_565, %get3A_25 : vector<16xf32>
      %add3A_567 = arith.addf %add3A_558, %mul3A_566 : vector<16xf32>
      %mul3A_568 = arith.mulf %get3A_565, %get3A_51 : vector<16xf32>
      %add3A_569 = arith.addf %add3A_560, %mul3A_568 : vector<16xf32>
      %add3A_570 = arith.constant 9 : i32
      %add3A_571 = arith.addi %mul3A_492, %add3A_570 : i32
      %get3A_572 = arith.index_cast %add3A_571 : i32 to index
      %get3A_573 = arith.constant 0 : index
      %get3A_574 = tpu.vector_load %arg8[%get3A_572, %get3A_573] {strides = array<i32>} : memref<6656x16xf32, #tpu.memory_space<vmem>>, vector<16xf32>,
      %mul3A_575 = arith.mulf %get3A_574, %get3A_27 : vector<16xf32>
      %add3A_576 = arith.addf %add3A_567, %mul3A_575 : vector<16xf32>
      %mul3A_577 = arith.mulf %get3A_574, %get3A_53 : vector<16xf32>
      %add3A_578 = arith.addf %add3A_569, %mul3A_577 : vector<16xf32>
      %add3A_579 = arith.constant 10 : i32
      %add3A_580 = arith.addi %mul3A_492, %add3A_579 : i32
      %get3A_581 = arith.index_cast %add3A_580 : i32 to index
      %get3A_582 = arith.constant 0 : index
      %get3A_583 = tpu.vector_load %arg8[%get3A_581, %get3A_582] {strides = array<i32>} : memref<6656x16xf32, #tpu.memory_space<vmem>>, vector<16xf32>,
      %mul3A_584 = arith.mulf %get3A_583, %get3A_29 : vector<16xf32>
      %add3A_585 = arith.addf %add3A_576, %mul3A_584 : vector<16xf32>
      %mul3A_586 = arith.mulf %get3A_583, %get3A_55 : vector<16xf32>
      %add3A_587 = arith.addf %add3A_578, %mul3A_586 : vector<16xf32>
      %add3A_588 = arith.constant 11 : i32
      %add3A_589 = arith.addi %mul3A_492, %add3A_588 : i32
      %get3A_590 = arith.index_cast %add3A_589 : i32 to index
      %get3A_591 = arith.constant 0 : index
      %get3A_592 = tpu.vector_load %arg8[%get3A_590, %get3A_591] {strides = array<i32>} : memref<6656x16xf32, #tpu.memory_space<vmem>>, vector<16xf32>,
      %mul3A_593 = arith.mulf %get3A_592, %get3A_31 : vector<16xf32>
      %add3A_594 = arith.addf %add3A_585, %mul3A_593 : vector<16xf32>
      %mul3A_595 = arith.mulf %get3A_592, %get3A_57 : vector<16xf32>
      %add3A_596 = arith.addf %add3A_587, %mul3A_595 : vector<16xf32>
      %add3A_597 = arith.constant 12 : i32
      %add3A_598 = arith.addi %mul3A_492, %add3A_597 : i32
      %get3A_599 = arith.index_cast %add3A_598 : i32 to index
      %get3A_600 = arith.constant 0 : index
      %get3A_601 = tpu.vector_load %arg8[%get3A_599, %get3A_600] {strides = array<i32>} : memref<6656x16xf32, #tpu.memory_space<vmem>>, vector<16xf32>,
      %mul3A_602 = arith.mulf %get3A_601, %get3A_33 : vector<16xf32>
      %add3A_603 = arith.addf %add3A_594, %mul3A_602 : vector<16xf32>
      %mul3A_604 = arith.mulf %get3A_601, %get3A_59 : vector<16xf32>
      %add3A_605 = arith.addf %add3A_596, %mul3A_604 : vector<16xf32>
      %reduce_sum3A_606 = arith.constant true
      %reduce_sum3A_607 = vector.broadcast %reduce_sum3A_606 : i1 to vector<16xi1>
      %reduce_sum3A_608 = tpu.scan <sum>, %add3A_603 masked %reduce_sum3A_607 : vector<16xf32>, vector<16xi1> -> vector<16xf32>
      %reduce_sum3A_609 = vector.extract %reduce_sum3A_608[15] : f32 from vector<16xf32>
      %add3A_610 = arith.addf %reduce_sum3A_609, %squeeze3A : f32
      %reduce_sum3A_611 = arith.constant true
      %reduce_sum3A_612 = vector.broadcast %reduce_sum3A_611 : i1 to vector<16xi1>
      %reduce_sum3A_613 = tpu.scan <sum>, %add3A_605 masked %reduce_sum3A_612 : vector<16xf32>, vector<16xi1> -> vector<16xf32>
      %reduce_sum3A_614 = vector.extract %reduce_sum3A_613[15] : f32 from vector<16xf32>
      %add3A_615 = arith.addf %reduce_sum3A_614, %squeeze3A_63 : f32
      %eq3A_616 = arith.constant 6 : i32
      %eq3A_617 = vector.broadcast %eq3A_616 : i32 to vector<16xi32>
      %eq3A_618 = arith.cmpi eq, %iota3A, %eq3A_617 : vector<16xi32>
      %broadcast_in_dim3A_619 = vector.broadcast %add3A_610 : f32 to vector<16xf32>
      %select_n3A_620 = arith.select %eq3A_618, %broadcast_in_dim3A_619, %select_n3A_486 : vector<16xi1>, vector<16xf32>
      %eq3A_621 = arith.constant 7 : i32
      %eq3A_622 = vector.broadcast %eq3A_621 : i32 to vector<16xi32>
      %eq3A_623 = arith.cmpi eq, %iota3A, %eq3A_622 : vector<16xi32>
      %broadcast_in_dim3A_624 = vector.broadcast %add3A_615 : f32 to vector<16xf32>
      %select_n3A_625 = arith.select %eq3A_623, %broadcast_in_dim3A_624, %select_n3A_620 : vector<16xi1>, vector<16xf32>
      %mul3A_626 = arith.constant 8 : i32
      %mul3A_627 = arith.muli %scan3A_71, %mul3A_626 : i32
      %add3A_628 = arith.constant 4 : i32
      %add3A_629 = arith.addi %mul3A_627, %add3A_628 : i32
      %mul3A_630 = arith.constant 13 : i32
      %mul3A_631 = arith.muli %add3A_629, %mul3A_630 : i32
      %get3A_632 = arith.index_cast %mul3A_631 : i32 to index
      %get3A_633 = arith.constant 0 : index
      %get3A_634 = tpu.vector_load %arg8[%get3A_632, %get3A_633] {strides = array<i32>} : memref<6656x16xf32, #tpu.memory_space<vmem>>, vector<16xf32>,
      %mul3A_635 = arith.mulf %get3A_634, %get3A_9 : vector<16xf32>
      %mul3A_636 = arith.mulf %get3A_634, %get3A_35 : vector<16xf32>
      %add3A_637 = arith.constant 1 : i32
      %add3A_638 = arith.addi %mul3A_631, %add3A_637 : i32
      %get3A_639 = arith.index_cast %add3A_638 : i32 to index
      %get3A_640 = arith.constant 0 : index
      %get3A_641 = tpu.vector_load %arg8[%get3A_639, %get3A_640] {strides = array<i32>} : memref<6656x16xf32, #tpu.memory_space<vmem>>, vector<16xf32>,
      %mul3A_642 = arith.mulf %get3A_641, %get3A_11 : vector<16xf32>
      %add3A_643 = arith.addf %mul3A_635, %mul3A_642 : vector<16xf32>
      %mul3A_644 = arith.mulf %get3A_641, %get3A_37 : vector<16xf32>
      %add3A_645 = arith.addf %mul3A_636, %mul3A_644 : vector<16xf32>
      %add3A_646 = arith.constant 2 : i32
      %add3A_647 = arith.addi %mul3A_631, %add3A_646 : i32
      %get3A_648 = arith.index_cast %add3A_647 : i32 to index
      %get3A_649 = arith.constant 0 : index
      %get3A_650 = tpu.vector_load %arg8[%get3A_648, %get3A_649] {strides = array<i32>} : memref<6656x16xf32, #tpu.memory_space<vmem>>, vector<16xf32>,
      %mul3A_651 = arith.mulf %get3A_650, %get3A_13 : vector<16xf32>
      %add3A_652 = arith.addf %add3A_643, %mul3A_651 : vector<16xf32>
      %mul3A_653 = arith.mulf %get3A_650, %get3A_39 : vector<16xf32>
      %add3A_654 = arith.addf %add3A_645, %mul3A_653 : vector<16xf32>
      %add3A_655 = arith.constant 3 : i32
      %add3A_656 = arith.addi %mul3A_631, %add3A_655 : i32
      %get3A_657 = arith.index_cast %add3A_656 : i32 to index
      %get3A_658 = arith.constant 0 : index
      %get3A_659 = tpu.vector_load %arg8[%get3A_657, %get3A_658] {strides = array<i32>} : memref<6656x16xf32, #tpu.memory_space<vmem>>, vector<16xf32>,
      %mul3A_660 = arith.mulf %get3A_659, %get3A_15 : vector<16xf32>
      %add3A_661 = arith.addf %add3A_652, %mul3A_660 : vector<16xf32>
      %mul3A_662 = arith.mulf %get3A_659, %get3A_41 : vector<16xf32>
      %add3A_663 = arith.addf %add3A_654, %mul3A_662 : vector<16xf32>
      %add3A_664 = arith.constant 4 : i32
      %add3A_665 = arith.addi %mul3A_631, %add3A_664 : i32
      %get3A_666 = arith.index_cast %add3A_665 : i32 to index
      %get3A_667 = arith.constant 0 : index
      %get3A_668 = tpu.vector_load %arg8[%get3A_666, %get3A_667] {strides = array<i32>} : memref<6656x16xf32, #tpu.memory_space<vmem>>, vector<16xf32>,
      %mul3A_669 = arith.mulf %get3A_668, %get3A_17 : vector<16xf32>
      %add3A_670 = arith.addf %add3A_661, %mul3A_669 : vector<16xf32>
      %mul3A_671 = arith.mulf %get3A_668, %get3A_43 : vector<16xf32>
      %add3A_672 = arith.addf %add3A_663, %mul3A_671 : vector<16xf32>
      %add3A_673 = arith.constant 5 : i32
      %add3A_674 = arith.addi %mul3A_631, %add3A_673 : i32
      %get3A_675 = arith.index_cast %add3A_674 : i32 to index
      %get3A_676 = arith.constant 0 : index
      %get3A_677 = tpu.vector_load %arg8[%get3A_675, %get3A_676] {strides = array<i32>} : memref<6656x16xf32, #tpu.memory_space<vmem>>, vector<16xf32>,
      %mul3A_678 = arith.mulf %get3A_677, %get3A_19 : vector<16xf32>
      %add3A_679 = arith.addf %add3A_670, %mul3A_678 : vector<16xf32>
      %mul3A_680 = arith.mulf %get3A_677, %get3A_45 : vector<16xf32>
      %add3A_681 = arith.addf %add3A_672, %mul3A_680 : vector<16xf32>
      %add3A_682 = arith.constant 6 : i32
      %add3A_683 = arith.addi %mul3A_631, %add3A_682 : i32
      %get3A_684 = arith.index_cast %add3A_683 : i32 to index
      %get3A_685 = arith.constant 0 : index
      %get3A_686 = tpu.vector_load %arg8[%get3A_684, %get3A_685] {strides = array<i32>} : memref<6656x16xf32, #tpu.memory_space<vmem>>, vector<16xf32>,
      %mul3A_687 = arith.mulf %get3A_686, %get3A_21 : vector<16xf32>
      %add3A_688 = arith.addf %add3A_679, %mul3A_687 : vector<16xf32>
      %mul3A_689 = arith.mulf %get3A_686, %get3A_47 : vector<16xf32>
      %add3A_690 = arith.addf %add3A_681, %mul3A_689 : vector<16xf32>
      %add3A_691 = arith.constant 7 : i32
      %add3A_692 = arith.addi %mul3A_631, %add3A_691 : i32
      %get3A_693 = arith.index_cast %add3A_692 : i32 to index
      %get3A_694 = arith.constant 0 : index
      %get3A_695 = tpu.vector_load %arg8[%get3A_693, %get3A_694] {strides = array<i32>} : memref<6656x16xf32, #tpu.memory_space<vmem>>, vector<16xf32>,
      %mul3A_696 = arith.mulf %get3A_695, %get3A_23 : vector<16xf32>
      %add3A_697 = arith.addf %add3A_688, %mul3A_696 : vector<16xf32>
      %mul3A_698 = arith.mulf %get3A_695, %get3A_49 : vector<16xf32>
      %add3A_699 = arith.addf %add3A_690, %mul3A_698 : vector<16xf32>
      %add3A_700 = arith.constant 8 : i32
      %add3A_701 = arith.addi %mul3A_631, %add3A_700 : i32
      %get3A_702 = arith.index_cast %add3A_701 : i32 to index
      %get3A_703 = arith.constant 0 : index
      %get3A_704 = tpu.vector_load %arg8[%get3A_702, %get3A_703] {strides = array<i32>} : memref<6656x16xf32, #tpu.memory_space<vmem>>, vector<16xf32>,
      %mul3A_705 = arith.mulf %get3A_704, %get3A_25 : vector<16xf32>
      %add3A_706 = arith.addf %add3A_697, %mul3A_705 : vector<16xf32>
      %mul3A_707 = arith.mulf %get3A_704, %get3A_51 : vector<16xf32>
      %add3A_708 = arith.addf %add3A_699, %mul3A_707 : vector<16xf32>
      %add3A_709 = arith.constant 9 : i32
      %add3A_710 = arith.addi %mul3A_631, %add3A_709 : i32
      %get3A_711 = arith.index_cast %add3A_710 : i32 to index
      %get3A_712 = arith.constant 0 : index
      %get3A_713 = tpu.vector_load %arg8[%get3A_711, %get3A_712] {strides = array<i32>} : memref<6656x16xf32, #tpu.memory_space<vmem>>, vector<16xf32>,
      %mul3A_714 = arith.mulf %get3A_713, %get3A_27 : vector<16xf32>
      %add3A_715 = arith.addf %add3A_706, %mul3A_714 : vector<16xf32>
      %mul3A_716 = arith.mulf %get3A_713, %get3A_53 : vector<16xf32>
      %add3A_717 = arith.addf %add3A_708, %mul3A_716 : vector<16xf32>
      %add3A_718 = arith.constant 10 : i32
      %add3A_719 = arith.addi %mul3A_631, %add3A_718 : i32
      %get3A_720 = arith.index_cast %add3A_719 : i32 to index
      %get3A_721 = arith.constant 0 : index
      %get3A_722 = tpu.vector_load %arg8[%get3A_720, %get3A_721] {strides = array<i32>} : memref<6656x16xf32, #tpu.memory_space<vmem>>, vector<16xf32>,
      %mul3A_723 = arith.mulf %get3A_722, %get3A_29 : vector<16xf32>
      %add3A_724 = arith.addf %add3A_715, %mul3A_723 : vector<16xf32>
      %mul3A_725 = arith.mulf %get3A_722, %get3A_55 : vector<16xf32>
      %add3A_726 = arith.addf %add3A_717, %mul3A_725 : vector<16xf32>
      %add3A_727 = arith.constant 11 : i32
      %add3A_728 = arith.addi %mul3A_631, %add3A_727 : i32
      %get3A_729 = arith.index_cast %add3A_728 : i32 to index
      %get3A_730 = arith.constant 0 : index
      %get3A_731 = tpu.vector_load %arg8[%get3A_729, %get3A_730] {strides = array<i32>} : memref<6656x16xf32, #tpu.memory_space<vmem>>, vector<16xf32>,
      %mul3A_732 = arith.mulf %get3A_731, %get3A_31 : vector<16xf32>
      %add3A_733 = arith.addf %add3A_724, %mul3A_732 : vector<16xf32>
      %mul3A_734 = arith.mulf %get3A_731, %get3A_57 : vector<16xf32>
      %add3A_735 = arith.addf %add3A_726, %mul3A_734 : vector<16xf32>
      %add3A_736 = arith.constant 12 : i32
      %add3A_737 = arith.addi %mul3A_631, %add3A_736 : i32
      %get3A_738 = arith.index_cast %add3A_737 : i32 to index
      %get3A_739 = arith.constant 0 : index
      %get3A_740 = tpu.vector_load %arg8[%get3A_738, %get3A_739] {strides = array<i32>} : memref<6656x16xf32, #tpu.memory_space<vmem>>, vector<16xf32>,
      %mul3A_741 = arith.mulf %get3A_740, %get3A_33 : vector<16xf32>
      %add3A_742 = arith.addf %add3A_733, %mul3A_741 : vector<16xf32>
      %mul3A_743 = arith.mulf %get3A_740, %get3A_59 : vector<16xf32>
      %add3A_744 = arith.addf %add3A_735, %mul3A_743 : vector<16xf32>
      %reduce_sum3A_745 = arith.constant true
      %reduce_sum3A_746 = vector.broadcast %reduce_sum3A_745 : i1 to vector<16xi1>
      %reduce_sum3A_747 = tpu.scan <sum>, %add3A_742 masked %reduce_sum3A_746 : vector<16xf32>, vector<16xi1> -> vector<16xf32>
      %reduce_sum3A_748 = vector.extract %reduce_sum3A_747[15] : f32 from vector<16xf32>
      %add3A_749 = arith.addf %reduce_sum3A_748, %squeeze3A : f32
      %reduce_sum3A_750 = arith.constant true
      %reduce_sum3A_751 = vector.broadcast %reduce_sum3A_750 : i1 to vector<16xi1>
      %reduce_sum3A_752 = tpu.scan <sum>, %add3A_744 masked %reduce_sum3A_751 : vector<16xf32>, vector<16xi1> -> vector<16xf32>
      %reduce_sum3A_753 = vector.extract %reduce_sum3A_752[15] : f32 from vector<16xf32>
      %add3A_754 = arith.addf %reduce_sum3A_753, %squeeze3A_63 : f32
      %eq3A_755 = arith.constant 8 : i32
      %eq3A_756 = vector.broadcast %eq3A_755 : i32 to vector<16xi32>
      %eq3A_757 = arith.cmpi eq, %iota3A, %eq3A_756 : vector<16xi32>
      %broadcast_in_dim3A_758 = vector.broadcast %add3A_749 : f32 to vector<16xf32>
      %select_n3A_759 = arith.select %eq3A_757, %broadcast_in_dim3A_758, %select_n3A_625 : vector<16xi1>, vector<16xf32>
      %eq3A_760 = arith.constant 9 : i32
      %eq3A_761 = vector.broadcast %eq3A_760 : i32 to vector<16xi32>
      %eq3A_762 = arith.cmpi eq, %iota3A, %eq3A_761 : vector<16xi32>
      %broadcast_in_dim3A_763 = vector.broadcast %add3A_754 : f32 to vector<16xf32>
      %select_n3A_764 = arith.select %eq3A_762, %broadcast_in_dim3A_763, %select_n3A_759 : vector<16xi1>, vector<16xf32>
      %mul3A_765 = arith.constant 8 : i32
      %mul3A_766 = arith.muli %scan3A_71, %mul3A_765 : i32
      %add3A_767 = arith.constant 5 : i32
      %add3A_768 = arith.addi %mul3A_766, %add3A_767 : i32
      %mul3A_769 = arith.constant 13 : i32
      %mul3A_770 = arith.muli %add3A_768, %mul3A_769 : i32
      %get3A_771 = arith.index_cast %mul3A_770 : i32 to index
      %get3A_772 = arith.constant 0 : index
      %get3A_773 = tpu.vector_load %arg8[%get3A_771, %get3A_772] {strides = array<i32>} : memref<6656x16xf32, #tpu.memory_space<vmem>>, vector<16xf32>,
      %mul3A_774 = arith.mulf %get3A_773, %get3A_9 : vector<16xf32>
      %mul3A_775 = arith.mulf %get3A_773, %get3A_35 : vector<16xf32>
      %add3A_776 = arith.constant 1 : i32
      %add3A_777 = arith.addi %mul3A_770, %add3A_776 : i32
      %get3A_778 = arith.index_cast %add3A_777 : i32 to index
      %get3A_779 = arith.constant 0 : index
      %get3A_780 = tpu.vector_load %arg8[%get3A_778, %get3A_779] {strides = array<i32>} : memref<6656x16xf32, #tpu.memory_space<vmem>>, vector<16xf32>,
      %mul3A_781 = arith.mulf %get3A_780, %get3A_11 : vector<16xf32>
      %add3A_782 = arith.addf %mul3A_774, %mul3A_781 : vector<16xf32>
      %mul3A_783 = arith.mulf %get3A_780, %get3A_37 : vector<16xf32>
      %add3A_784 = arith.addf %mul3A_775, %mul3A_783 : vector<16xf32>
      %add3A_785 = arith.constant 2 : i32
      %add3A_786 = arith.addi %mul3A_770, %add3A_785 : i32
      %get3A_787 = arith.index_cast %add3A_786 : i32 to index
      %get3A_788 = arith.constant 0 : index
      %get3A_789 = tpu.vector_load %arg8[%get3A_787, %get3A_788] {strides = array<i32>} : memref<6656x16xf32, #tpu.memory_space<vmem>>, vector<16xf32>,
      %mul3A_790 = arith.mulf %get3A_789, %get3A_13 : vector<16xf32>
      %add3A_791 = arith.addf %add3A_782, %mul3A_790 : vector<16xf32>
      %mul3A_792 = arith.mulf %get3A_789, %get3A_39 : vector<16xf32>
      %add3A_793 = arith.addf %add3A_784, %mul3A_792 : vector<16xf32>
      %add3A_794 = arith.constant 3 : i32
      %add3A_795 = arith.addi %mul3A_770, %add3A_794 : i32
      %get3A_796 = arith.index_cast %add3A_795 : i32 to index
      %get3A_797 = arith.constant 0 : index
      %get3A_798 = tpu.vector_load %arg8[%get3A_796, %get3A_797] {strides = array<i32>} : memref<6656x16xf32, #tpu.memory_space<vmem>>, vector<16xf32>,
      %mul3A_799 = arith.mulf %get3A_798, %get3A_15 : vector<16xf32>
      %add3A_800 = arith.addf %add3A_791, %mul3A_799 : vector<16xf32>
      %mul3A_801 = arith.mulf %get3A_798, %get3A_41 : vector<16xf32>
      %add3A_802 = arith.addf %add3A_793, %mul3A_801 : vector<16xf32>
      %add3A_803 = arith.constant 4 : i32
      %add3A_804 = arith.addi %mul3A_770, %add3A_803 : i32
      %get3A_805 = arith.index_cast %add3A_804 : i32 to index
      %get3A_806 = arith.constant 0 : index
      %get3A_807 = tpu.vector_load %arg8[%get3A_805, %get3A_806] {strides = array<i32>} : memref<6656x16xf32, #tpu.memory_space<vmem>>, vector<16xf32>,
      %mul3A_808 = arith.mulf %get3A_807, %get3A_17 : vector<16xf32>
      %add3A_809 = arith.addf %add3A_800, %mul3A_808 : vector<16xf32>
      %mul3A_810 = arith.mulf %get3A_807, %get3A_43 : vector<16xf32>
      %add3A_811 = arith.addf %add3A_802, %mul3A_810 : vector<16xf32>
      %add3A_812 = arith.constant 5 : i32
      %add3A_813 = arith.addi %mul3A_770, %add3A_812 : i32
      %get3A_814 = arith.index_cast %add3A_813 : i32 to index
      %get3A_815 = arith.constant 0 : index
      %get3A_816 = tpu.vector_load %arg8[%get3A_814, %get3A_815] {strides = array<i32>} : memref<6656x16xf32, #tpu.memory_space<vmem>>, vector<16xf32>,
      %mul3A_817 = arith.mulf %get3A_816, %get3A_19 : vector<16xf32>
      %add3A_818 = arith.addf %add3A_809, %mul3A_817 : vector<16xf32>
      %mul3A_819 = arith.mulf %get3A_816, %get3A_45 : vector<16xf32>
      %add3A_820 = arith.addf %add3A_811, %mul3A_819 : vector<16xf32>
      %add3A_821 = arith.constant 6 : i32
      %add3A_822 = arith.addi %mul3A_770, %add3A_821 : i32
      %get3A_823 = arith.index_cast %add3A_822 : i32 to index
      %get3A_824 = arith.constant 0 : index
      %get3A_825 = tpu.vector_load %arg8[%get3A_823, %get3A_824] {strides = array<i32>} : memref<6656x16xf32, #tpu.memory_space<vmem>>, vector<16xf32>,
      %mul3A_826 = arith.mulf %get3A_825, %get3A_21 : vector<16xf32>
      %add3A_827 = arith.addf %add3A_818, %mul3A_826 : vector<16xf32>
      %mul3A_828 = arith.mulf %get3A_825, %get3A_47 : vector<16xf32>
      %add3A_829 = arith.addf %add3A_820, %mul3A_828 : vector<16xf32>
      %add3A_830 = arith.constant 7 : i32
      %add3A_831 = arith.addi %mul3A_770, %add3A_830 : i32
      %get3A_832 = arith.index_cast %add3A_831 : i32 to index
      %get3A_833 = arith.constant 0 : index
      %get3A_834 = tpu.vector_load %arg8[%get3A_832, %get3A_833] {strides = array<i32>} : memref<6656x16xf32, #tpu.memory_space<vmem>>, vector<16xf32>,
      %mul3A_835 = arith.mulf %get3A_834, %get3A_23 : vector<16xf32>
      %add3A_836 = arith.addf %add3A_827, %mul3A_835 : vector<16xf32>
      %mul3A_837 = arith.mulf %get3A_834, %get3A_49 : vector<16xf32>
      %add3A_838 = arith.addf %add3A_829, %mul3A_837 : vector<16xf32>
      %add3A_839 = arith.constant 8 : i32
      %add3A_840 = arith.addi %mul3A_770, %add3A_839 : i32
      %get3A_841 = arith.index_cast %add3A_840 : i32 to index
      %get3A_842 = arith.constant 0 : index
      %get3A_843 = tpu.vector_load %arg8[%get3A_841, %get3A_842] {strides = array<i32>} : memref<6656x16xf32, #tpu.memory_space<vmem>>, vector<16xf32>,
      %mul3A_844 = arith.mulf %get3A_843, %get3A_25 : vector<16xf32>
      %add3A_845 = arith.addf %add3A_836, %mul3A_844 : vector<16xf32>
      %mul3A_846 = arith.mulf %get3A_843, %get3A_51 : vector<16xf32>
      %add3A_847 = arith.addf %add3A_838, %mul3A_846 : vector<16xf32>
      %add3A_848 = arith.constant 9 : i32
      %add3A_849 = arith.addi %mul3A_770, %add3A_848 : i32
      %get3A_850 = arith.index_cast %add3A_849 : i32 to index
      %get3A_851 = arith.constant 0 : index
      %get3A_852 = tpu.vector_load %arg8[%get3A_850, %get3A_851] {strides = array<i32>} : memref<6656x16xf32, #tpu.memory_space<vmem>>, vector<16xf32>,
      %mul3A_853 = arith.mulf %get3A_852, %get3A_27 : vector<16xf32>
      %add3A_854 = arith.addf %add3A_845, %mul3A_853 : vector<16xf32>
      %mul3A_855 = arith.mulf %get3A_852, %get3A_53 : vector<16xf32>
      %add3A_856 = arith.addf %add3A_847, %mul3A_855 : vector<16xf32>
      %add3A_857 = arith.constant 10 : i32
      %add3A_858 = arith.addi %mul3A_770, %add3A_857 : i32
      %get3A_859 = arith.index_cast %add3A_858 : i32 to index
      %get3A_860 = arith.constant 0 : index
      %get3A_861 = tpu.vector_load %arg8[%get3A_859, %get3A_860] {strides = array<i32>} : memref<6656x16xf32, #tpu.memory_space<vmem>>, vector<16xf32>,
      %mul3A_862 = arith.mulf %get3A_861, %get3A_29 : vector<16xf32>
      %add3A_863 = arith.addf %add3A_854, %mul3A_862 : vector<16xf32>
      %mul3A_864 = arith.mulf %get3A_861, %get3A_55 : vector<16xf32>
      %add3A_865 = arith.addf %add3A_856, %mul3A_864 : vector<16xf32>
      %add3A_866 = arith.constant 11 : i32
      %add3A_867 = arith.addi %mul3A_770, %add3A_866 : i32
      %get3A_868 = arith.index_cast %add3A_867 : i32 to index
      %get3A_869 = arith.constant 0 : index
      %get3A_870 = tpu.vector_load %arg8[%get3A_868, %get3A_869] {strides = array<i32>} : memref<6656x16xf32, #tpu.memory_space<vmem>>, vector<16xf32>,
      %mul3A_871 = arith.mulf %get3A_870, %get3A_31 : vector<16xf32>
      %add3A_872 = arith.addf %add3A_863, %mul3A_871 : vector<16xf32>
      %mul3A_873 = arith.mulf %get3A_870, %get3A_57 : vector<16xf32>
      %add3A_874 = arith.addf %add3A_865, %mul3A_873 : vector<16xf32>
      %add3A_875 = arith.constant 12 : i32
      %add3A_876 = arith.addi %mul3A_770, %add3A_875 : i32
      %get3A_877 = arith.index_cast %add3A_876 : i32 to index
      %get3A_878 = arith.constant 0 : index
      %get3A_879 = tpu.vector_load %arg8[%get3A_877, %get3A_878] {strides = array<i32>} : memref<6656x16xf32, #tpu.memory_space<vmem>>, vector<16xf32>,
      %mul3A_880 = arith.mulf %get3A_879, %get3A_33 : vector<16xf32>
      %add3A_881 = arith.addf %add3A_872, %mul3A_880 : vector<16xf32>
      %mul3A_882 = arith.mulf %get3A_879, %get3A_59 : vector<16xf32>
      %add3A_883 = arith.addf %add3A_874, %mul3A_882 : vector<16xf32>
      %reduce_sum3A_884 = arith.constant true
      %reduce_sum3A_885 = vector.broadcast %reduce_sum3A_884 : i1 to vector<16xi1>
      %reduce_sum3A_886 = tpu.scan <sum>, %add3A_881 masked %reduce_sum3A_885 : vector<16xf32>, vector<16xi1> -> vector<16xf32>
      %reduce_sum3A_887 = vector.extract %reduce_sum3A_886[15] : f32 from vector<16xf32>
      %add3A_888 = arith.addf %reduce_sum3A_887, %squeeze3A : f32
      %reduce_sum3A_889 = arith.constant true
      %reduce_sum3A_890 = vector.broadcast %reduce_sum3A_889 : i1 to vector<16xi1>
      %reduce_sum3A_891 = tpu.scan <sum>, %add3A_883 masked %reduce_sum3A_890 : vector<16xf32>, vector<16xi1> -> vector<16xf32>
      %reduce_sum3A_892 = vector.extract %reduce_sum3A_891[15] : f32 from vector<16xf32>
      %add3A_893 = arith.addf %reduce_sum3A_892, %squeeze3A_63 : f32
      %eq3A_894 = arith.constant 10 : i32
      %eq3A_895 = vector.broadcast %eq3A_894 : i32 to vector<16xi32>
      %eq3A_896 = arith.cmpi eq, %iota3A, %eq3A_895 : vector<16xi32>
      %broadcast_in_dim3A_897 = vector.broadcast %add3A_888 : f32 to vector<16xf32>
      %select_n3A_898 = arith.select %eq3A_896, %broadcast_in_dim3A_897, %select_n3A_764 : vector<16xi1>, vector<16xf32>
      %eq3A_899 = arith.constant 11 : i32
      %eq3A_900 = vector.broadcast %eq3A_899 : i32 to vector<16xi32>
      %eq3A_901 = arith.cmpi eq, %iota3A, %eq3A_900 : vector<16xi32>
      %broadcast_in_dim3A_902 = vector.broadcast %add3A_893 : f32 to vector<16xf32>
      %select_n3A_903 = arith.select %eq3A_901, %broadcast_in_dim3A_902, %select_n3A_898 : vector<16xi1>, vector<16xf32>
      %mul3A_904 = arith.constant 8 : i32
      %mul3A_905 = arith.muli %scan3A_71, %mul3A_904 : i32
      %add3A_906 = arith.constant 6 : i32
      %add3A_907 = arith.addi %mul3A_905, %add3A_906 : i32
      %mul3A_908 = arith.constant 13 : i32
      %mul3A_909 = arith.muli %add3A_907, %mul3A_908 : i32
      %get3A_910 = arith.index_cast %mul3A_909 : i32 to index
      %get3A_911 = arith.constant 0 : index
      %get3A_912 = tpu.vector_load %arg8[%get3A_910, %get3A_911] {strides = array<i32>} : memref<6656x16xf32, #tpu.memory_space<vmem>>, vector<16xf32>,
      %mul3A_913 = arith.mulf %get3A_912, %get3A_9 : vector<16xf32>
      %mul3A_914 = arith.mulf %get3A_912, %get3A_35 : vector<16xf32>
      %add3A_915 = arith.constant 1 : i32
      %add3A_916 = arith.addi %mul3A_909, %add3A_915 : i32
      %get3A_917 = arith.index_cast %add3A_916 : i32 to index
      %get3A_918 = arith.constant 0 : index
      %get3A_919 = tpu.vector_load %arg8[%get3A_917, %get3A_918] {strides = array<i32>} : memref<6656x16xf32, #tpu.memory_space<vmem>>, vector<16xf32>,
      %mul3A_920 = arith.mulf %get3A_919, %get3A_11 : vector<16xf32>
      %add3A_921 = arith.addf %mul3A_913, %mul3A_920 : vector<16xf32>
      %mul3A_922 = arith.mulf %get3A_919, %get3A_37 : vector<16xf32>
      %add3A_923 = arith.addf %mul3A_914, %mul3A_922 : vector<16xf32>
      %add3A_924 = arith.constant 2 : i32
      %add3A_925 = arith.addi %mul3A_909, %add3A_924 : i32
      %get3A_926 = arith.index_cast %add3A_925 : i32 to index
      %get3A_927 = arith.constant 0 : index
      %get3A_928 = tpu.vector_load %arg8[%get3A_926, %get3A_927] {strides = array<i32>} : memref<6656x16xf32, #tpu.memory_space<vmem>>, vector<16xf32>,
      %mul3A_929 = arith.mulf %get3A_928, %get3A_13 : vector<16xf32>
      %add3A_930 = arith.addf %add3A_921, %mul3A_929 : vector<16xf32>
      %mul3A_931 = arith.mulf %get3A_928, %get3A_39 : vector<16xf32>
      %add3A_932 = arith.addf %add3A_923, %mul3A_931 : vector<16xf32>
      %add3A_933 = arith.constant 3 : i32
      %add3A_934 = arith.addi %mul3A_909, %add3A_933 : i32
      %get3A_935 = arith.index_cast %add3A_934 : i32 to index
      %get3A_936 = arith.constant 0 : index
      %get3A_937 = tpu.vector_load %arg8[%get3A_935, %get3A_936] {strides = array<i32>} : memref<6656x16xf32, #tpu.memory_space<vmem>>, vector<16xf32>,
      %mul3A_938 = arith.mulf %get3A_937, %get3A_15 : vector<16xf32>
      %add3A_939 = arith.addf %add3A_930, %mul3A_938 : vector<16xf32>
      %mul3A_940 = arith.mulf %get3A_937, %get3A_41 : vector<16xf32>
      %add3A_941 = arith.addf %add3A_932, %mul3A_940 : vector<16xf32>
      %add3A_942 = arith.constant 4 : i32
      %add3A_943 = arith.addi %mul3A_909, %add3A_942 : i32
      %get3A_944 = arith.index_cast %add3A_943 : i32 to index
      %get3A_945 = arith.constant 0 : index
      %get3A_946 = tpu.vector_load %arg8[%get3A_944, %get3A_945] {strides = array<i32>} : memref<6656x16xf32, #tpu.memory_space<vmem>>, vector<16xf32>,
      %mul3A_947 = arith.mulf %get3A_946, %get3A_17 : vector<16xf32>
      %add3A_948 = arith.addf %add3A_939, %mul3A_947 : vector<16xf32>
      %mul3A_949 = arith.mulf %get3A_946, %get3A_43 : vector<16xf32>
      %add3A_950 = arith.addf %add3A_941, %mul3A_949 : vector<16xf32>
      %add3A_951 = arith.constant 5 : i32
      %add3A_952 = arith.addi %mul3A_909, %add3A_951 : i32
      %get3A_953 = arith.index_cast %add3A_952 : i32 to index
      %get3A_954 = arith.constant 0 : index
      %get3A_955 = tpu.vector_load %arg8[%get3A_953, %get3A_954] {strides = array<i32>} : memref<6656x16xf32, #tpu.memory_space<vmem>>, vector<16xf32>,
      %mul3A_956 = arith.mulf %get3A_955, %get3A_19 : vector<16xf32>
      %add3A_957 = arith.addf %add3A_948, %mul3A_956 : vector<16xf32>
      %mul3A_958 = arith.mulf %get3A_955, %get3A_45 : vector<16xf32>
      %add3A_959 = arith.addf %add3A_950, %mul3A_958 : vector<16xf32>
      %add3A_960 = arith.constant 6 : i32
      %add3A_961 = arith.addi %mul3A_909, %add3A_960 : i32
      %get3A_962 = arith.index_cast %add3A_961 : i32 to index
      %get3A_963 = arith.constant 0 : index
      %get3A_964 = tpu.vector_load %arg8[%get3A_962, %get3A_963] {strides = array<i32>} : memref<6656x16xf32, #tpu.memory_space<vmem>>, vector<16xf32>,
      %mul3A_965 = arith.mulf %get3A_964, %get3A_21 : vector<16xf32>
      %add3A_966 = arith.addf %add3A_957, %mul3A_965 : vector<16xf32>
      %mul3A_967 = arith.mulf %get3A_964, %get3A_47 : vector<16xf32>
      %add3A_968 = arith.addf %add3A_959, %mul3A_967 : vector<16xf32>
      %add3A_969 = arith.constant 7 : i32
      %add3A_970 = arith.addi %mul3A_909, %add3A_969 : i32
      %get3A_971 = arith.index_cast %add3A_970 : i32 to index
      %get3A_972 = arith.constant 0 : index
      %get3A_973 = tpu.vector_load %arg8[%get3A_971, %get3A_972] {strides = array<i32>} : memref<6656x16xf32, #tpu.memory_space<vmem>>, vector<16xf32>,
      %mul3A_974 = arith.mulf %get3A_973, %get3A_23 : vector<16xf32>
      %add3A_975 = arith.addf %add3A_966, %mul3A_974 : vector<16xf32>
      %mul3A_976 = arith.mulf %get3A_973, %get3A_49 : vector<16xf32>
      %add3A_977 = arith.addf %add3A_968, %mul3A_976 : vector<16xf32>
      %add3A_978 = arith.constant 8 : i32
      %add3A_979 = arith.addi %mul3A_909, %add3A_978 : i32
      %get3A_980 = arith.index_cast %add3A_979 : i32 to index
      %get3A_981 = arith.constant 0 : index
      %get3A_982 = tpu.vector_load %arg8[%get3A_980, %get3A_981] {strides = array<i32>} : memref<6656x16xf32, #tpu.memory_space<vmem>>, vector<16xf32>,
      %mul3A_983 = arith.mulf %get3A_982, %get3A_25 : vector<16xf32>
      %add3A_984 = arith.addf %add3A_975, %mul3A_983 : vector<16xf32>
      %mul3A_985 = arith.mulf %get3A_982, %get3A_51 : vector<16xf32>
      %add3A_986 = arith.addf %add3A_977, %mul3A_985 : vector<16xf32>
      %add3A_987 = arith.constant 9 : i32
      %add3A_988 = arith.addi %mul3A_909, %add3A_987 : i32
      %get3A_989 = arith.index_cast %add3A_988 : i32 to index
      %get3A_990 = arith.constant 0 : index
      %get3A_991 = tpu.vector_load %arg8[%get3A_989, %get3A_990] {strides = array<i32>} : memref<6656x16xf32, #tpu.memory_space<vmem>>, vector<16xf32>,
      %mul3A_992 = arith.mulf %get3A_991, %get3A_27 : vector<16xf32>
      %add3A_993 = arith.addf %add3A_984, %mul3A_992 : vector<16xf32>
      %mul3A_994 = arith.mulf %get3A_991, %get3A_53 : vector<16xf32>
      %add3A_995 = arith.addf %add3A_986, %mul3A_994 : vector<16xf32>
      %add3A_996 = arith.constant 10 : i32
      %add3A_997 = arith.addi %mul3A_909, %add3A_996 : i32
      %get3A_998 = arith.index_cast %add3A_997 : i32 to index
      %get3A_999 = arith.constant 0 : index
      %get3A_1000 = tpu.vector_load %arg8[%get3A_998, %get3A_999] {strides = array<i32>} : memref<6656x16xf32, #tpu.memory_space<vmem>>, vector<16xf32>,
      %mul3A_1001 = arith.mulf %get3A_1000, %get3A_29 : vector<16xf32>
      %add3A_1002 = arith.addf %add3A_993, %mul3A_1001 : vector<16xf32>
      %mul3A_1003 = arith.mulf %get3A_1000, %get3A_55 : vector<16xf32>
      %add3A_1004 = arith.addf %add3A_995, %mul3A_1003 : vector<16xf32>
      %add3A_1005 = arith.constant 11 : i32
      %add3A_1006 = arith.addi %mul3A_909, %add3A_1005 : i32
      %get3A_1007 = arith.index_cast %add3A_1006 : i32 to index
      %get3A_1008 = arith.constant 0 : index
      %get3A_1009 = tpu.vector_load %arg8[%get3A_1007, %get3A_1008] {strides = array<i32>} : memref<6656x16xf32, #tpu.memory_space<vmem>>, vector<16xf32>,
      %mul3A_1010 = arith.mulf %get3A_1009, %get3A_31 : vector<16xf32>
      %add3A_1011 = arith.addf %add3A_1002, %mul3A_1010 : vector<16xf32>
      %mul3A_1012 = arith.mulf %get3A_1009, %get3A_57 : vector<16xf32>
      %add3A_1013 = arith.addf %add3A_1004, %mul3A_1012 : vector<16xf32>
      %add3A_1014 = arith.constant 12 : i32
      %add3A_1015 = arith.addi %mul3A_909, %add3A_1014 : i32
      %get3A_1016 = arith.index_cast %add3A_1015 : i32 to index
      %get3A_1017 = arith.constant 0 : index
      %get3A_1018 = tpu.vector_load %arg8[%get3A_1016, %get3A_1017] {strides = array<i32>} : memref<6656x16xf32, #tpu.memory_space<vmem>>, vector<16xf32>,
      %mul3A_1019 = arith.mulf %get3A_1018, %get3A_33 : vector<16xf32>
      %add3A_1020 = arith.addf %add3A_1011, %mul3A_1019 : vector<16xf32>
      %mul3A_1021 = arith.mulf %get3A_1018, %get3A_59 : vector<16xf32>
      %add3A_1022 = arith.addf %add3A_1013, %mul3A_1021 : vector<16xf32>
      %reduce_sum3A_1023 = arith.constant true
      %reduce_sum3A_1024 = vector.broadcast %reduce_sum3A_1023 : i1 to vector<16xi1>
      %reduce_sum3A_1025 = tpu.scan <sum>, %add3A_1020 masked %reduce_sum3A_1024 : vector<16xf32>, vector<16xi1> -> vector<16xf32>
      %reduce_sum3A_1026 = vector.extract %reduce_sum3A_1025[15] : f32 from vector<16xf32>
      %add3A_1027 = arith.addf %reduce_sum3A_1026, %squeeze3A : f32
      %reduce_sum3A_1028 = arith.constant true
      %reduce_sum3A_1029 = vector.broadcast %reduce_sum3A_1028 : i1 to vector<16xi1>
      %reduce_sum3A_1030 = tpu.scan <sum>, %add3A_1022 masked %reduce_sum3A_1029 : vector<16xf32>, vector<16xi1> -> vector<16xf32>
      %reduce_sum3A_1031 = vector.extract %reduce_sum3A_1030[15] : f32 from vector<16xf32>
      %add3A_1032 = arith.addf %reduce_sum3A_1031, %squeeze3A_63 : f32
      %eq3A_1033 = arith.constant 12 : i32
      %eq3A_1034 = vector.broadcast %eq3A_1033 : i32 to vector<16xi32>
      %eq3A_1035 = arith.cmpi eq, %iota3A, %eq3A_1034 : vector<16xi32>
      %broadcast_in_dim3A_1036 = vector.broadcast %add3A_1027 : f32 to vector<16xf32>
      %select_n3A_1037 = arith.select %eq3A_1035, %broadcast_in_dim3A_1036, %select_n3A_903 : vector<16xi1>, vector<16xf32>
      %eq3A_1038 = arith.constant 13 : i32
      %eq3A_1039 = vector.broadcast %eq3A_1038 : i32 to vector<16xi32>
      %eq3A_1040 = arith.cmpi eq, %iota3A, %eq3A_1039 : vector<16xi32>
      %broadcast_in_dim3A_1041 = vector.broadcast %add3A_1032 : f32 to vector<16xf32>
      %select_n3A_1042 = arith.select %eq3A_1040, %broadcast_in_dim3A_1041, %select_n3A_1037 : vector<16xi1>, vector<16xf32>
      %mul3A_1043 = arith.constant 8 : i32
      %mul3A_1044 = arith.muli %scan3A_71, %mul3A_1043 : i32
      %add3A_1045 = arith.constant 7 : i32
      %add3A_1046 = arith.addi %mul3A_1044, %add3A_1045 : i32
      %mul3A_1047 = arith.constant 13 : i32
      %mul3A_1048 = arith.muli %add3A_1046, %mul3A_1047 : i32
      %get3A_1049 = arith.index_cast %mul3A_1048 : i32 to index
      %get3A_1050 = arith.constant 0 : index
      %get3A_1051 = tpu.vector_load %arg8[%get3A_1049, %get3A_1050] {strides = array<i32>} : memref<6656x16xf32, #tpu.memory_space<vmem>>, vector<16xf32>,
      %mul3A_1052 = arith.mulf %get3A_1051, %get3A_9 : vector<16xf32>
      %mul3A_1053 = arith.mulf %get3A_1051, %get3A_35 : vector<16xf32>
      %add3A_1054 = arith.constant 1 : i32
      %add3A_1055 = arith.addi %mul3A_1048, %add3A_1054 : i32
      %get3A_1056 = arith.index_cast %add3A_1055 : i32 to index
      %get3A_1057 = arith.constant 0 : index
      %get3A_1058 = tpu.vector_load %arg8[%get3A_1056, %get3A_1057] {strides = array<i32>} : memref<6656x16xf32, #tpu.memory_space<vmem>>, vector<16xf32>,
      %mul3A_1059 = arith.mulf %get3A_1058, %get3A_11 : vector<16xf32>
      %add3A_1060 = arith.addf %mul3A_1052, %mul3A_1059 : vector<16xf32>
      %mul3A_1061 = arith.mulf %get3A_1058, %get3A_37 : vector<16xf32>
      %add3A_1062 = arith.addf %mul3A_1053, %mul3A_1061 : vector<16xf32>
      %add3A_1063 = arith.constant 2 : i32
      %add3A_1064 = arith.addi %mul3A_1048, %add3A_1063 : i32
      %get3A_1065 = arith.index_cast %add3A_1064 : i32 to index
      %get3A_1066 = arith.constant 0 : index
      %get3A_1067 = tpu.vector_load %arg8[%get3A_1065, %get3A_1066] {strides = array<i32>} : memref<6656x16xf32, #tpu.memory_space<vmem>>, vector<16xf32>,
      %mul3A_1068 = arith.mulf %get3A_1067, %get3A_13 : vector<16xf32>
      %add3A_1069 = arith.addf %add3A_1060, %mul3A_1068 : vector<16xf32>
      %mul3A_1070 = arith.mulf %get3A_1067, %get3A_39 : vector<16xf32>
      %add3A_1071 = arith.addf %add3A_1062, %mul3A_1070 : vector<16xf32>
      %add3A_1072 = arith.constant 3 : i32
      %add3A_1073 = arith.addi %mul3A_1048, %add3A_1072 : i32
      %get3A_1074 = arith.index_cast %add3A_1073 : i32 to index
      %get3A_1075 = arith.constant 0 : index
      %get3A_1076 = tpu.vector_load %arg8[%get3A_1074, %get3A_1075] {strides = array<i32>} : memref<6656x16xf32, #tpu.memory_space<vmem>>, vector<16xf32>,
      %mul3A_1077 = arith.mulf %get3A_1076, %get3A_15 : vector<16xf32>
      %add3A_1078 = arith.addf %add3A_1069, %mul3A_1077 : vector<16xf32>
      %mul3A_1079 = arith.mulf %get3A_1076, %get3A_41 : vector<16xf32>
      %add3A_1080 = arith.addf %add3A_1071, %mul3A_1079 : vector<16xf32>
      %add3A_1081 = arith.constant 4 : i32
      %add3A_1082 = arith.addi %mul3A_1048, %add3A_1081 : i32
      %get3A_1083 = arith.index_cast %add3A_1082 : i32 to index
      %get3A_1084 = arith.constant 0 : index
      %get3A_1085 = tpu.vector_load %arg8[%get3A_1083, %get3A_1084] {strides = array<i32>} : memref<6656x16xf32, #tpu.memory_space<vmem>>, vector<16xf32>,
      %mul3A_1086 = arith.mulf %get3A_1085, %get3A_17 : vector<16xf32>
      %add3A_1087 = arith.addf %add3A_1078, %mul3A_1086 : vector<16xf32>
      %mul3A_1088 = arith.mulf %get3A_1085, %get3A_43 : vector<16xf32>
      %add3A_1089 = arith.addf %add3A_1080, %mul3A_1088 : vector<16xf32>
      %add3A_1090 = arith.constant 5 : i32
      %add3A_1091 = arith.addi %mul3A_1048, %add3A_1090 : i32
      %get3A_1092 = arith.index_cast %add3A_1091 : i32 to index
      %get3A_1093 = arith.constant 0 : index
      %get3A_1094 = tpu.vector_load %arg8[%get3A_1092, %get3A_1093] {strides = array<i32>} : memref<6656x16xf32, #tpu.memory_space<vmem>>, vector<16xf32>,
      %mul3A_1095 = arith.mulf %get3A_1094, %get3A_19 : vector<16xf32>
      %add3A_1096 = arith.addf %add3A_1087, %mul3A_1095 : vector<16xf32>
      %mul3A_1097 = arith.mulf %get3A_1094, %get3A_45 : vector<16xf32>
      %add3A_1098 = arith.addf %add3A_1089, %mul3A_1097 : vector<16xf32>
      %add3A_1099 = arith.constant 6 : i32
      %add3A_1100 = arith.addi %mul3A_1048, %add3A_1099 : i32
      %get3A_1101 = arith.index_cast %add3A_1100 : i32 to index
      %get3A_1102 = arith.constant 0 : index
      %get3A_1103 = tpu.vector_load %arg8[%get3A_1101, %get3A_1102] {strides = array<i32>} : memref<6656x16xf32, #tpu.memory_space<vmem>>, vector<16xf32>,
      %mul3A_1104 = arith.mulf %get3A_1103, %get3A_21 : vector<16xf32>
      %add3A_1105 = arith.addf %add3A_1096, %mul3A_1104 : vector<16xf32>
      %mul3A_1106 = arith.mulf %get3A_1103, %get3A_47 : vector<16xf32>
      %add3A_1107 = arith.addf %add3A_1098, %mul3A_1106 : vector<16xf32>
      %add3A_1108 = arith.constant 7 : i32
      %add3A_1109 = arith.addi %mul3A_1048, %add3A_1108 : i32
      %get3A_1110 = arith.index_cast %add3A_1109 : i32 to index
      %get3A_1111 = arith.constant 0 : index
      %get3A_1112 = tpu.vector_load %arg8[%get3A_1110, %get3A_1111] {strides = array<i32>} : memref<6656x16xf32, #tpu.memory_space<vmem>>, vector<16xf32>,
      %mul3A_1113 = arith.mulf %get3A_1112, %get3A_23 : vector<16xf32>
      %add3A_1114 = arith.addf %add3A_1105, %mul3A_1113 : vector<16xf32>
      %mul3A_1115 = arith.mulf %get3A_1112, %get3A_49 : vector<16xf32>
      %add3A_1116 = arith.addf %add3A_1107, %mul3A_1115 : vector<16xf32>
      %add3A_1117 = arith.constant 8 : i32
      %add3A_1118 = arith.addi %mul3A_1048, %add3A_1117 : i32
      %get3A_1119 = arith.index_cast %add3A_1118 : i32 to index
      %get3A_1120 = arith.constant 0 : index
      %get3A_1121 = tpu.vector_load %arg8[%get3A_1119, %get3A_1120] {strides = array<i32>} : memref<6656x16xf32, #tpu.memory_space<vmem>>, vector<16xf32>,
      %mul3A_1122 = arith.mulf %get3A_1121, %get3A_25 : vector<16xf32>
      %add3A_1123 = arith.addf %add3A_1114, %mul3A_1122 : vector<16xf32>
      %mul3A_1124 = arith.mulf %get3A_1121, %get3A_51 : vector<16xf32>
      %add3A_1125 = arith.addf %add3A_1116, %mul3A_1124 : vector<16xf32>
      %add3A_1126 = arith.constant 9 : i32
      %add3A_1127 = arith.addi %mul3A_1048, %add3A_1126 : i32
      %get3A_1128 = arith.index_cast %add3A_1127 : i32 to index
      %get3A_1129 = arith.constant 0 : index
      %get3A_1130 = tpu.vector_load %arg8[%get3A_1128, %get3A_1129] {strides = array<i32>} : memref<6656x16xf32, #tpu.memory_space<vmem>>, vector<16xf32>,
      %mul3A_1131 = arith.mulf %get3A_1130, %get3A_27 : vector<16xf32>
      %add3A_1132 = arith.addf %add3A_1123, %mul3A_1131 : vector<16xf32>
      %mul3A_1133 = arith.mulf %get3A_1130, %get3A_53 : vector<16xf32>
      %add3A_1134 = arith.addf %add3A_1125, %mul3A_1133 : vector<16xf32>
      %add3A_1135 = arith.constant 10 : i32
      %add3A_1136 = arith.addi %mul3A_1048, %add3A_1135 : i32
      %get3A_1137 = arith.index_cast %add3A_1136 : i32 to index
      %get3A_1138 = arith.constant 0 : index
      %get3A_1139 = tpu.vector_load %arg8[%get3A_1137, %get3A_1138] {strides = array<i32>} : memref<6656x16xf32, #tpu.memory_space<vmem>>, vector<16xf32>,
      %mul3A_1140 = arith.mulf %get3A_1139, %get3A_29 : vector<16xf32>
      %add3A_1141 = arith.addf %add3A_1132, %mul3A_1140 : vector<16xf32>
      %mul3A_1142 = arith.mulf %get3A_1139, %get3A_55 : vector<16xf32>
      %add3A_1143 = arith.addf %add3A_1134, %mul3A_1142 : vector<16xf32>
      %add3A_1144 = arith.constant 11 : i32
      %add3A_1145 = arith.addi %mul3A_1048, %add3A_1144 : i32
      %get3A_1146 = arith.index_cast %add3A_1145 : i32 to index
      %get3A_1147 = arith.constant 0 : index
      %get3A_1148 = tpu.vector_load %arg8[%get3A_1146, %get3A_1147] {strides = array<i32>} : memref<6656x16xf32, #tpu.memory_space<vmem>>, vector<16xf32>,
      %mul3A_1149 = arith.mulf %get3A_1148, %get3A_31 : vector<16xf32>
      %add3A_1150 = arith.addf %add3A_1141, %mul3A_1149 : vector<16xf32>
      %mul3A_1151 = arith.mulf %get3A_1148, %get3A_57 : vector<16xf32>
      %add3A_1152 = arith.addf %add3A_1143, %mul3A_1151 : vector<16xf32>
      %add3A_1153 = arith.constant 12 : i32
      %add3A_1154 = arith.addi %mul3A_1048, %add3A_1153 : i32
      %get3A_1155 = arith.index_cast %add3A_1154 : i32 to index
      %get3A_1156 = arith.constant 0 : index
      %get3A_1157 = tpu.vector_load %arg8[%get3A_1155, %get3A_1156] {strides = array<i32>} : memref<6656x16xf32, #tpu.memory_space<vmem>>, vector<16xf32>,
      %mul3A_1158 = arith.mulf %get3A_1157, %get3A_33 : vector<16xf32>
      %add3A_1159 = arith.addf %add3A_1150, %mul3A_1158 : vector<16xf32>
      %mul3A_1160 = arith.mulf %get3A_1157, %get3A_59 : vector<16xf32>
      %add3A_1161 = arith.addf %add3A_1152, %mul3A_1160 : vector<16xf32>
      %reduce_sum3A_1162 = arith.constant true
      %reduce_sum3A_1163 = vector.broadcast %reduce_sum3A_1162 : i1 to vector<16xi1>
      %reduce_sum3A_1164 = tpu.scan <sum>, %add3A_1159 masked %reduce_sum3A_1163 : vector<16xf32>, vector<16xi1> -> vector<16xf32>
      %reduce_sum3A_1165 = vector.extract %reduce_sum3A_1164[15] : f32 from vector<16xf32>
      %add3A_1166 = arith.addf %reduce_sum3A_1165, %squeeze3A : f32
      %reduce_sum3A_1167 = arith.constant true
      %reduce_sum3A_1168 = vector.broadcast %reduce_sum3A_1167 : i1 to vector<16xi1>
      %reduce_sum3A_1169 = tpu.scan <sum>, %add3A_1161 masked %reduce_sum3A_1168 : vector<16xf32>, vector<16xi1> -> vector<16xf32>
      %reduce_sum3A_1170 = vector.extract %reduce_sum3A_1169[15] : f32 from vector<16xf32>
      %add3A_1171 = arith.addf %reduce_sum3A_1170, %squeeze3A_63 : f32
      %eq3A_1172 = arith.constant 14 : i32
      %eq3A_1173 = vector.broadcast %eq3A_1172 : i32 to vector<16xi32>
      %eq3A_1174 = arith.cmpi eq, %iota3A, %eq3A_1173 : vector<16xi32>
      %broadcast_in_dim3A_1175 = vector.broadcast %add3A_1166 : f32 to vector<16xf32>
      %select_n3A_1176 = arith.select %eq3A_1174, %broadcast_in_dim3A_1175, %select_n3A_1042 : vector<16xi1>, vector<16xf32>
      %eq3A_1177 = arith.constant 15 : i32
      %eq3A_1178 = vector.broadcast %eq3A_1177 : i32 to vector<16xi32>
      %eq3A_1179 = arith.cmpi eq, %iota3A, %eq3A_1178 : vector<16xi32>
      %broadcast_in_dim3A_1180 = vector.broadcast %add3A_1171 : f32 to vector<16xf32>
      %select_n3A_1181 = arith.select %eq3A_1179, %broadcast_in_dim3A_1180, %select_n3A_1176 : vector<16xi1>, vector<16xf32>
      %mul3A_1182 = arith.constant 16 : i32
      %mul3A_1183 = arith.muli %scan3A_71, %mul3A_1182 : i32
      %swap3A = arith.index_cast %mul3A_1183 : i32 to index
      %swap3A_1184 = tpu.vector_load %arg11[%swap3A] {strides = array<i32>} : memref<1024xf32, #tpu.memory_space<vmem>>, vector<16xf32>,
      tpu.vector_store %arg11[%swap3A], %select_n3A_1181 {strides = array<i32>} : memref<1024xf32, #tpu.memory_space<vmem>>, vector<16xf32>,
    }
    %scan3A_68 = arith.constant 64 : i32
    %mul3A_69 = arith.constant 2 : i32
    %mul3A_70 = arith.muli %mul3A_2, %mul3A_69 : i32
    "tpu.region"() ({
      %run_scoped3A = tpu.sem_alloc : memref<!tpu.dma_semaphore, #tpu.memory_space<semaphore_mem>>
      %dma_start3A_71 = tpu.memref_slice %arg6[%mul3A_70] : memref<32768xf32, #tpu.memory_space<hbm>> -> memref<1024xf32, #tpu.memory_space<hbm>>
      %dma_start3A_72 = tpu.memref_slice %arg6[%mul3A_70] : memref<32768xf32, #tpu.memory_space<hbm>> -> memref<1024xf32, #tpu.memory_space<hbm>>
      tpu.enqueue_dma source(%arg11 : memref<1024xf32, #tpu.memory_space<vmem>>) target(%dma_start3A_72 : memref<1024xf32, #tpu.memory_space<hbm>>) target_semaphore(%run_scoped3A : memref<!tpu.dma_semaphore, #tpu.memory_space<semaphore_mem>>)
      %dma_wait3A_73 = tpu.memref_slice %arg6[%mul3A_70] : memref<32768xf32, #tpu.memory_space<hbm>> -> memref<1024xf32, #tpu.memory_space<hbm>>
      %dma_wait3A_74 = tpu.memref_slice %arg6[%mul3A_70] : memref<32768xf32, #tpu.memory_space<hbm>> -> memref<1024xf32, #tpu.memory_space<hbm>>
      tpu.wait_dma2 semaphore(%run_scoped3A : memref<!tpu.dma_semaphore, #tpu.memory_space<semaphore_mem>>) src(%arg11 : memref<1024xf32, #tpu.memory_space<vmem>>) dst(%dma_wait3A_74 : memref<1024xf32, #tpu.memory_space<hbm>>)
      tpu.yield
    }) : () -> ()
    return
  }
}

</mosaic_0001>

<sc_bundles>
// kernel: kernel.3.cloned.1.call-start
scs
__scs_entry_jumppad:
0x0: {  	(pc) =	sbr.rel $0x88, $3  }
0x1: {  	(tag) =	ssettag $0x0;
	lr =	simm.s32 $0x1  }
0x2: {  	[smem:$0x3F9D] =	sst lr;
	_ =	strace $0xD0000000  }
0x3: {  	_ = 	snop  }
0x4: {  	_ = 	snop  }
0x5: {  	_ = 	snop  }
0x6: {  	_ = 	snop  }
0x7: {  	_ = 	snop  }
__scs_overlays_trampoline_lowered:
0x8: {  	[smem:$0x3FAC] =	sst s0  }
0x9: {  	[smem:$0x3FAD] =	sst s1  }
0xa: {  	[smem:$0x3FAE] =	sst s2  }
0xb: {  	[smem:$0x3FAF] =	sst s3  }
0xc: {  	[smem:$0x3FB0] =	sst s4  }
0xd: {  	[smem:$0x3FB1] =	sst s5  }
0xe: {  	[smem:$0x3FB2] =	sst s6  }
0xf: {  	[smem:$0x3FB3] =	sst s7  }
0x10: {  	[smem:$0x3FB4] =	sst s8  }
0x11: {  	[smem:$0x3FB5] =	sst s9;
	s0 =	simm.s32 @!p0 $0x0  }
0x12: {  	s1 =	sld [smem:$0x3F9B];
	s0 =	simm.s32 @p0 $0x1  }
0x13: {  	[smem:$0x3FB6] =	sst s0;
	s0 =	simm.s32 @!p1 $0x0  }
0x14: {  	s2 =	sld [smem:$0x3F9A];
	s0 =	simm.s32 @p1 $0x1  }
0x15: {  	[smem:$0x3FB7] =	sst s0;
	s0 =	simm.s32 @!p2 $0x0  }
0x16: {  	s3 =	sld [smem:$0x3FDB];
	s0 =	simm.s32 @p2 $0x1  }
0x17: {  	s4 =	simm.s32 $0x1BF5;
	[smem:$0x3FB9] =	sst s0  }
0x18: {  	s0 =	sld [smem:$0x3F9C];
	_ =	swait.ge [sflag:s4], $0x0  }
0x19: {  	s7 =	sld [smem:$0x3F9D]  }
0x1a: {  	s8 =	sadd.s32 $0xFFFFE003, lr  }
0x1b: {  	s9 =	sadd.s32 $0xFFFFFEF7, lr;
	s5 =	simm.s32 $0xFFFFFFFF;
	p2 =	slt.u32 s8, $0xFFFFF086  }
0x1c: {  	p1 =	slt.u32 s9, $0xF7A;
	s5 =	simm.s32 @!p2 $0x0  }
0x1d: {  	s5 =	simm.s32 @p1 $0x1;
	p0 =	seq.s32 s7, s2  }
0x1e: {  	s7 =	smul.u32 @!p0 $0xF7A, s2;
	p2 =	seq.s32 @!p0 s5, $0x0  }
0x1f: {  	s9 =	smul.u32 $0xF7A, s1;
	s8 =	simm.s32 @!p0 $0x1BF5;
	p2 =	por !p2, p0  }
0x20: {  	[sflag:s8] =	ssyncset.s32 @!p0 $0xFFFFF086;
	s6 =	sadd.s32 @!p0 s3, s7;
	s7 =	simm.s32 @!p0 $0x108  }
0x21: {  	s3 =	sadd.s32 s3, s9;
	s6 =	sadd.s32 @!p0 $0x88, s6;
	s7 =	simm.s32 @p2 $0x1082  }
0x22: {  	[simem:s7], [sflag:s8] =	dma.local @!p0 [hbm:s6], $0xF7A  }
0x23: {  	s9 =	sor.u32 $0xD0000000, s2;
	s6 =	simm.s32 $0x108;
	_ =	swait.ge @!p0 [sflag:s8], $0x0  }
0x24: {  	s3 =	sadd.s32 $0x88, s3;
	s6 =	simm.s32 @!p1 $0x1082;
	[sflag:s4] =	ssyncset.s32 $0xFFFFF086  }
0x25: {  	[simem:s6], [sflag:s4] =	dma.local [hbm:s3], $0xF7A  }
0x26: {  	[smem:$0x3F9D] =	sst s1;
	(tag) =	ssettag s2;
	_ =	strace s9  }
0x27: {  	s1 =	sld [smem:$0x3FAD]  }
0x28: {  	s2 =	sld [smem:$0x3FAE]  }
0x29: {  	s4 =	sld [smem:$0x3FB0]  }
0x2a: {  	p0 =	seq.s32 s5, $0x0;
	s5 =	sld [smem:$0x3FB1]  }
0x2b: {  	s6 =	sld [smem:$0x3FB2]  }
0x2c: {  	s7 =	sld [smem:$0x3FB3]  }
0x2d: {  	s3 =	simm.s32 $0x108;
	s8 =	sld [smem:$0x3FB4]  }
0x2e: {  	s3 =	simm.s32 @!p0 $0x1082;
	s9 =	sld [smem:$0x3FB5]  }
0x2f: {  	lr =	sadd.s32 s0, s3;
	s0 =	sld [smem:$0x3FAC]  }
0x30: {  	s3 =	sld [smem:$0x3FAF]  }
0x31: {  	[smem:$0x3FB8] =	sst s10  }
0x32: {  	s10 =	sld [smem:$0x3FB6];
	_ =	sdelay $0x3  }
0x33: {  	p0 =	seq.s32 s10, $0x1;
	s10 =	sld [smem:$0x3FB8];
	_ =	sdelay $0x3  }
0x34: {  	[smem:$0x3FB8] =	sst s10  }
0x35: {  	s10 =	sld [smem:$0x3FB7];
	_ =	sdelay $0x3  }
0x36: {  	p1 =	seq.s32 s10, $0x1;
	s10 =	sld [smem:$0x3FB8];
	_ =	sdelay $0x3  }
0x37: {  	[smem:$0x3FB8] =	sst s10  }
0x38: {  	s10 =	sld [smem:$0x3FB9]  }
0x39: {  	_ = 	snop;
	(pc) =	sbr.ind lr, $3  }
0x3a: {  	_ = 	snop  }
0x3b: {  	_ = 	snop  }
0x3c: {  	p2 =	seq.s32 s10, $0x1;
	s10 =	sld [smem:$0x3FB8]  }
0x3d: {  	_ =	shalt  }
0x3e: {  	_ =	shalt  }
0x3f: {  	_ =	shalt  }
0x40: {  	_ =	shalt  }
0x41: {  	_ =	shalt  }
0x42: {  	_ =	shalt  }
0x43: {  	_ =	shalt  }
0x44: {  	_ =	shalt  }
0x45: {  	_ =	shalt  }
0x46: {  	_ =	shalt  }
0x47: {  	_ =	shalt  }
0x48: {  	_ =	shalt  }
0x49: {  	_ =	shalt  }
0x4a: {  	_ =	shalt  }
0x4b: {  	_ =	shalt  }
0x4c: {  	_ =	shalt  }
0x4d: {  	_ =	shalt  }
0x4e: {  	_ =	shalt  }
0x4f: {  	_ =	shalt  }
0x50: {  	_ =	shalt  }
0x51: {  	_ =	shalt  }
0x52: {  	_ =	shalt  }
0x53: {  	_ =	shalt  }
0x54: {  	_ =	shalt  }
0x55: {  	_ =	shalt  }
0x56: {  	_ =	shalt  }
0x57: {  	_ =	shalt  }
0x58: {  	_ =	shalt  }
0x59: {  	_ =	shalt  }
0x5a: {  	_ =	shalt  }
0x5b: {  	_ =	shalt  }
0x5c: {  	_ =	shalt  }
0x5d: {  	_ =	shalt  }
0x5e: {  	_ =	shalt  }
0x5f: {  	_ =	shalt  }
0x60: {  	_ =	shalt  }
0x61: {  	_ =	shalt  }
0x62: {  	_ =	shalt  }
0x63: {  	_ =	shalt  }
0x64: {  	_ =	shalt  }
0x65: {  	_ =	shalt  }
0x66: {  	_ =	shalt  }
0x67: {  	_ =	shalt  }
0x68: {  	_ =	shalt  }
0x69: {  	_ =	shalt  }
0x6a: {  	_ =	shalt  }
0x6b: {  	_ =	shalt  }
0x6c: {  	_ =	shalt  }
0x6d: {  	_ =	shalt  }
0x6e: {  	_ =	shalt  }
0x6f: {  	_ =	shalt  }
0x70: {  	_ =	shalt  }
0x71: {  	_ =	shalt  }
0x72: {  	_ =	shalt  }
0x73: {  	_ =	shalt  }
0x74: {  	_ =	shalt  }
0x75: {  	_ =	shalt  }
0x76: {  	_ =	shalt  }
0x77: {  	_ =	shalt  }
0x78: {  	_ =	shalt  }
0x79: {  	_ =	shalt  }
0x7a: {  	_ =	shalt  }
0x7b: {  	_ =	shalt  }
0x7c: {  	_ =	shalt  }
0x7d: {  	_ =	shalt  }
0x7e: {  	_ =	shalt  }
0x7f: {  	_ =	shalt  }
0x80: {  	_ =	shalt  }
0x81: {  	_ =	shalt  }
0x82: {  	_ =	shalt  }
0x83: {  	_ =	shalt  }
0x84: {  	_ =	shalt  }
0x85: {  	_ =	shalt  }
0x86: {  	_ =	shalt  }
0x87: {  	_ =	shalt  }
.Lfunc_end0:
.L_simem_size_0:
called_computation_lowered:
.L_overlay_start_0:
0x88: {  	s2 =	sld [smem:$0x3FD9]  }
0x89: {  	s3 =	sld [smem:$0x3FFE];
	_ =	sdelay $0x1  }
0x8a: {  	s1 =	srdreg.scid  }
0x8b: {  	s0 =	sand.u32 $0x1, s1  }
0x8c: {  	s17 =	sshll.u32 s0, $0xA;
	s2 =	sadd.s32 s3, s2  }
0x8d: {  	s2 =	sadd.s32 s2, s17  }
0x8e: {  	[smem:$0x3FC4] =	sst s2  }
0x8f: {  	_ = 	snop  }
0x90: {  	s2 =	sld [smem:$0x3FD0];
	(tm) =	ssettm $0x1  }
0x91: {  	s18 =	sld [smem:$0x3FFB];
	_ =	sdelay $0x3  }
0x92: {  	_ =	strace s18  }
0x93: {  	s3 =	sld [smem:$0x3FFC];
	_ =	sdelay $0x3  }
0x94: {  	_ =	strace s3  }
0x95: {  	s3 =	sld [smem:$0x3FFD];
	_ =	sdelay $0x3  }
0x96: {  	_ =	strace s3  }
0x97: {  	_ =	strace $0x8FFFFFFF  }
0x98: {  	s19 =	sld [smem:$0x3FDB];
	_ =	sdelay $0x1  }
0x99: {  	s4 =	simm.s32 $_scs_section_size  }
0x9a: {  	s5 =	simm.s32 $_size__tile_overlayer_lowered;
	s6 =	simm.s32 $_tile_overlayer_lowered  }
0x9b: {  	s22 =	simm.s32 $0x1BFF;
	s21 =	sshll.u32 s6, $0x1;
	s3 =	sadd.s32 s4, s19  }
0x9c: {  	s7 =	simm.s32 $0x0;
	s20 =	sshll.u32 s5, $0x1;
	s5 =	sadd.s32 s21, s3  }
0x9d: {  	[timem:s7], [sflag:s22] =	dma.local [hbm:s5], s20  }
0x9e: {  	_ =	swait.ge [sflag:s22], s20  }
0x9f: {  	s4 =	ssub.s32 $0x0, s20;
	[sflag:s22] =	ssyncset.done $0x0  }
0xa0: {  	[sflag:s22] =	ssyncadd.s32 s4;
	_ =	sdelay $0x1  }
0xa1: {  	s23 =	simm.s32 $0x1B8B  }
0xa2: {  	_ =	swait.ge [sflag:s23], $0x1  }
0xa3: {  	[sflag:s23] =	ssyncset.done $0x0  }
0xa4: {  	s25 =	simm.s32 $0x1B8E;
	s24 =	sld [smem:$0x3FFE];
	[sflag:s23] =	ssyncadd.s32 $0xFFFFFFFF  }
0xa5: {  	s26 =	simm.s32 $execute0_lowered;
	[smem:$0x3FD2] =	sst s25  }
0xa6: {  	s5 =	sshll.u32 s26, $0x1;
	_ =	strace $0x80000046;
	[dreg:$0x1] =	wrdreg $0xFFFFFFFF  }
0xa7: {  	s28 =	simm.s32 $_size_execute0_lowered;
	s3 =	sadd.s32 s3, s5;
	[dreg:$0x0] =	wrdreg $0x0  }
0xa8: {  	s5 =	sshll.u32 s28, $0x1;
	[dreg:$0x2] =	wrdreg s3  }
0xa9: {  	[dreg:$0x3] =	wrdreg s5  }
0xaa: {  	[dreg:$0x4] =	wrdreg $0xC0  }
0xab: {  	_ =	task [dreg:s7], $0x5FFFF  }
0xac: {  	[dreg:$0x1] =	wrdreg $0xFFFFFFFF  }
0xad: {  	[dreg:$0x0] =	wrdreg $0x60  }
0xae: {  	[dreg:$0x2] =	wrdreg s24  }
0xaf: {  	[dreg:$0x3] =	wrdreg s2  }
0xb0: {  	[dreg:$0x4] =	wrdreg $0x9  }
0xb1: {  	_ =	task.clear_ibuf [dreg:s7], $0x5FFFF;
	_ =	strace $0x90000046  }
0xb2: {  	s29 =	simm.s32 $0x9;
	_ =	strace $0x80000048  }
0xb3: {  	_ =	swait.ge [sflag:s29], $0x1  }
0xb4: {  	[sflag:s29] =	ssyncadd.s32 $0xFFFFFFFF  }
0xb5: {  	_ =	strace $0x90000048  }
0xb6: {  	_ =	sfence  }
0xb7: {  	s30 =	sld [smem:$0x0];
	_ =	sdelay $0x2  }
0xb8: {  	s31 =	sshll.u32 s1, $0xD;
	s1 =	sshrl.u32 s1, $0x2  }
0xb9: {  	s3 =	sand.u32 $0x4000, s31;
	s1 =	sadd.s32 s1, s30  }
0xba: {  	s0 =	sor.u32 s3, s0;
	s1 =	sshll.u32 s1, $0x11  }
0xbb: {  	s0 =	sor.u32 s1, s0  }
0xbc: {  	s0 =	sadd.s32 $0x8F2B, s0  }
0xbd: {  	[sflag:s0] =	ssyncadd.remote.s32 $0x1  }
0xbe: {  	_ =	sfence.sel $0xFFFF  }
0xbf: {  	[dreg:$0x0] =	wrdreg $0xFFFFFFFF;
	(pc) =	sbr.abs _section_cstart, $3  }
0xc0: {  	[dreg:$0x1] =	wrdreg $0xFFFFFFFF  }
0xc1: {  	_ =	task.clear_ibuf [dreg:s7], $0x2FFFF;
	_ =	strace $0x9FFFFFFF  }
0xc2: {  	(tm) =	ssettm $0x7FFFFFFF  }
0xc3: {  	_ =	shalt  }
tec
execute0_lowered:
.L_overlay_start_1:
0x0: {  	(tag) =	ssettag $0x1  }
0x1: {  	s5 =	rddreg [dreg:$0x0]  }
0x2: {  	s1 =	srdreg.scid;
	s0 =	stileid.u32  }
0x3: {  	s7 =	rddreg [dreg:$0x1];
	s2 =	simm.s32 $0x0;
	s11 =	simm.s32 $0x1BBA0  }
0x4: {  	s12 =	simm.s32 $0x1A00;
	s13 =	simm.s32 $0x1;
	s14 =	simm.s32 $0x1BBB0  }
0x5: {  	s4 =	sand.u32 $0x1, s1;
	s3 =	sshll.u32 s0, $0x1;
	s1 =	rddreg [dreg:$0x2]  }
0x6: {  	s15 =	simm.s32 $0x0;
	[smem:$0x7FF] =	sst s2;
	s8 =	sor.u32 s4, s3  }
0x7: {  	vm0 =	vcmask $0x300;
	vm1 =	vcmask $0x704;
	vm2 =	vcmask $0xB08;
	_ =	strace $0x80000047;
	s9 =	ssub.s32 $0x2, s4;
	s4 =	sadd.s32 $0x400, s5  }
0x8: {  	vm3 =	vcmask $0xF0C;
	vm4 =	vcmask $0x1310;
	vm5 =	vcmask $0x1714;
	s3 =	smul.u32 $0x340, s8;
	s10 =	sshrl.u32 s9, $0x1;
	s8 =	sshll.u32 s8, $0x7  }
0x9: {  	vm6 =	vcmask $0x1B18;
	vm7 =	vcmask $0x1F1C;
	vm8 =	vcmask $0x2320;
	s9 =	ssub.s32 s9, s10;
	s7 =	sadd.s32 s7, s8;
	s10 =	simm.s32 $0x1BA00  }
0xa: {  	vm9 =	vcmask $0x2724;
	vm10 =	vcmask $0x2B28;
	vm11 =	vcmask $0x2F2C;
	s6 =	sadd.s32 s3, s5;
	s3 =	sadd.s32 $0x7000, s5;
	s5 =	sadd.s32 $0x6E00, s5  }
0xb: {  	vm12 =	vcmask $0x3330;
	vm13 =	vcmask $0x3734;
	vm14 =	vcmask $0x3B38;
	s8 =	smax.u32 s9, $0x1;
	s9 =	simm.s32 $0x2;
	s6 =	sadd.s32 $0x600, s6  }
.LBB2_1:
0xc: {  	[tilespmem:s2], [sflag:$0x2] =	stream.linear.gather [hbm4b:s6+s2], $0x1A00, $0x38;
	[tilespmem:$0x1BFB0] =	vst v63  }
0xd: {  	_ =	swait.ge [sflag:s9], $0x1A00  }
0xe: {  	[sflag:s9] =	ssyncset.done $0x0  }
0xf: {  	[sflag:s9] =	ssyncadd.s32 $0xFFFFE600  }
0x10: {  	[tilespmem:s10], [sflag:$0x2] =	stream.linear.gather [hbm4b:s4+s2], $0x1A0, $0x38;
	[tilespmem:$0x1BFB0] =	vst v63  }
0x11: {  	_ =	swait.ge [sflag:s9], $0x1A0  }
0x12: {  	[sflag:s9] =	ssyncset.done $0x0  }
0x13: {  	[sflag:s9] =	ssyncadd.s32 $0xFFFFFE60  }
0x14: {  	[tilespmem:s11], [sflag:$0x2] =	stream.linear.gather [hbm4b:s5+s2], $0x10, $0x38;
	[tilespmem:$0x1BFB0] =	vst v63  }
0x15: {  	_ =	swait.ge [sflag:s9], $0x10  }
0x16: {  	[sflag:s9] =	ssyncset.done $0x0  }
0x17: {  	[sflag:s9] =	ssyncadd.s32 $0xFFFFFFF0  }
0x18: {  	[tilespmem:s12], [sflag:$0x1] =	stream.indirect.gather [hbm4b:s3+s12], $0x10, s2, s12, $0xb8;
	[tilespmem:$0x1BFB0] =	vst v63  }
0x19: {  	_ =	swait.ge [sflag:s13], $0x1A000  }
0x1a: {  	[sflag:s13] =	ssyncset.done $0x0  }
0x1b: {  	[sflag:s13] =	ssyncadd.s32 $0xFFFE6000  }
0x1c: {  	v51 =	vld [tilespmem:$0x1BA00]  }
0x1d: {  	v21 =	vld [tilespmem:$0x1BA10]  }
0x1e: {  	v44 =	vld [tilespmem:$0x1BA20]  }
0x1f: {  	v48 =	vld [tilespmem:$0x1BA30]  }
0x20: {  	v63 =	vld [tilespmem:$0x1BA40]  }
0x21: {  	v53 =	vld [tilespmem:$0x1BA50]  }
0x22: {  	v46 =	vld [tilespmem:$0x1BA60]  }
0x23: {  	v25 =	vld [tilespmem:$0x1BA70]  }
0x24: {  	v22 =	vld [tilespmem:$0x1BA90]  }
0x25: {  	v20 =	vld [tilespmem:$0x1BAA0]  }
0x26: {  	v19 =	vld [tilespmem:$0x1BAB0]  }
0x27: {  	v18 =	vld [tilespmem:$0x1BAC0]  }
0x28: {  	v43 =	vld [tilespmem:$0x1BAD0]  }
0x29: {  	v24 =	vld [tilespmem:$0x1BAE0]  }
0x2a: {  	v54 =	vld [tilespmem:$0x1BAF0]  }
0x2b: {  	v61 =	vld [tilespmem:$0x1BB00]  }
0x2c: {  	v50 =	vld [tilespmem:$0x1BB10]  }
0x2d: {  	v58 =	vld [tilespmem:$0x1BB20]  }
0x2e: {  	v57 =	vld [tilespmem:$0x1BB30]  }
0x2f: {  	v49 =	vld [tilespmem:$0x1BB60]  }
0x30: {  	v60 =	vld [tilespmem:$0x1BB70]  }
0x31: {  	v47 =	vld [tilespmem:$0x1BB80]  }
0x32: {  	v45 =	vld [tilespmem:$0x1BB90]  }
0x33: {  	s16 =	simm.s32 $0x1D40;
	v2 =	vld [tilespmem:$0x1BBA0]  }
0x34: {  	v0 =	vld [tilespmem:s16+$0x260]  }
0x35: {  	v1 =	vld [tilespmem:s16+$0x250]  }
0x36: {  	v6 =	vld [tilespmem:s16+$0x190]  }
0x37: {  	v3 =	vld [tilespmem:s16+$0x240]  }
0x38: {  	v7 =	vld [tilespmem:s16+$0x180]  }
0x39: {  	v4 =	vld [tilespmem:s16+$0xC0]  }
0x3a: {  	v5 =	vld [tilespmem:s16+$0x230]  }
0x3b: {  	v17 =	vld [tilespmem:s16+$0x170]  }
0x3c: {  	v11 =	vld [tilespmem:s16+$0x1A0];
	v8 =	vmul.f32 v0, v45  }
0x3d: {  	v13 =	vld [tilespmem:s16+$0xB0];
	v9 =	vmul.f32 v1, v47;
	v10 =	vmul.f32 v0, v18  }
0x3e: {  	v16 =	vld [tilespmem:s16+$0xFFFFFFF0];
	[tilespmem:$0x1FCA0] =	vst v6;
	v6 =	vmul.f32 v6, v18;
	v12 =	vmul.f32 v1, v19  }
0x3f: {  	v1 =	vld [tilespmem:s16+$0x1B0];
	v14 =	vmul.f32 v3, v20;
	v15 =	vmul.f32 v3, v60  }
0x40: {  	v31 =	vld [tilespmem:s16+$0x1E0];
	v0 =	vmul.f32 v4, v45;
	[tilespmem:$0x1FCB0] =	vst v7;
	v7 =	vmul.f32 v7, v19  }
0x41: {  	v3 =	vld [tilespmem:s16+$0x1C0];
	v4 =	vmul.f32 v4, v18;
	v28 =	vmul.f32 v5, v49  }
0x42: {  	v56 =	vld [tilespmem:$0x1BB40];
	v29 =	vmul.f32 v17, v20;
	v30 =	vmul.f32 v5, v22  }
0x43: {  	v5 =	vld [tilespmem:s16+$0x1D0];
	v26 =	vmul.f32 v11, v43;
	v11 =	vmul.f32 v11, v51  }
0x44: {  	v33 =	vld [tilespmem:s16+$0xD0];
	v62 =	vmul.f32 v16, v18;
	v27 =	vmul.f32 v1, v24  }
0x45: {  	(v2sf) =	vpush v2, $0x0;
	[tilespmem:$0x1FCC0] =	vst v4;
	v4 =	vld [tilespmem:s16+$0x1F0];
	v32 =	vmul.f32 v1, v21;
	v1 =	vmul.f32 v13, v19  }
0x46: {  	v39 =	vld [tilespmem:s16+$0x110];
	v37 =	vmul.f32 v31, v63;
	v35 =	vmul.f32 v3, v54;
	v34 =	vadd.f32 v27, v26  }
0x47: {  	v3 =	vmul.f32 v3, v44;
	[tilespmem:$0x1FCE0] =	vst v1;
	v1 =	vmul.f32 v13, v47;
	v13 =	vld [tilespmem:s16+$0xE0];
	v11 =	vadd.f32 v32, v11  }
0x48: {  	v42 =	vmul.f32 v5, v61;
	v27 =	vmul.f32 v16, v45;
	v16 =	vld [tilespmem:s16+$0x200];
	v41 =	vadd.f32 v35, v34  }
0x49: {  	v31 =	vmul.f32 v31, v50;
	v5 =	vmul.f32 v5, v48;
	v35 =	vld [tilespmem:s16+$0xF0];
	v3 =	vadd.f32 v3, v11  }
0x4a: {  	v36 =	vmul.f32 v4, v53;
	v4 =	vmul.f32 v4, v58;
	v34 =	vld [tilespmem:s16+$0x100];
	v32 =	vadd.f32 v42, v41  }
0x4b: {  	v59 =	vld [tilespmem:$0x1BB50];
	v3 =	vadd.f32 v5, v3;
	v5 =	vmul.f32 v33, v51;
	v42 =	vmul.f32 v39, v63  }
0x4c: {  	(v2sf) =	vpush v2, $0x1;
	v11 =	vld [tilespmem:s16+$0x210];
	v33 =	vmul.f32 v33, v43;
	v38 =	vmul.f32 v13, v21  }
0x4d: {  	v2 =	vld [tilespmem:s16+$0x220];
	v13 =	vmul.f32 v13, v24;
	v31 =	vadd.f32 v31, v32;
	v3 =	vadd.f32 v37, v3  }
0x4e: {  	v23 =	vld [tilespmem:$0x1BA80];
	v37 =	vmul.f32 v16, v46;
	v16 =	vmul.f32 v16, v57;
	v5 =	vadd.f32 v38, v5  }
0x4f: {  	v40 =	vld [tilespmem:s16+$0x120];
	v52 =	vmul.f32 v35, v44;
	v55 =	vmul.f32 v34, v48;
	v13 =	vadd.f32 v13, v33  }
0x50: {  	v32 =	vld [tilespmem:s16+$0x160];
	v35 =	vmul.f32 v35, v54;
	v34 =	vmul.f32 v34, v61;
	v4 =	vadd.f32 v4, v31  }
0x51: {  	v38 =	vld [tilespmem:s16+$0xA0];
	v3 =	vadd.f32 v36, v3;
	v31 =	vmul.f32 v11, v56;
	v11 =	vmul.f32 v11, v25  }
0x52: {  	v5 =	vadd.f32 v52, v5;
	v52 =	vmul.f32 v2, v59;
	v13 =	vadd.f32 v35, v13  }
0x53: {  	v41 =	vld [tilespmem:s16+$0x130];
	v16 =	vadd.f32 v16, v4;
	v3 =	vadd.f32 v37, v3;
	v37 =	vmul.f32 v2, v23  }
0x54: {  	v5 =	vadd.f32 v55, v5;
	v55 =	vmul.f32 v40, v53;
	v13 =	vadd.f32 v34, v13  }
0x55: {  	v4 =	vld [tilespmem:s16+$0xFFFFFFE0];
	v16 =	vadd.f32 v31, v16;
	v3 =	vadd.f32 v11, v3;
	v11 =	vmul.f32 v32, v22  }
0x56: {  	[tilespmem:$0x1FCD0] =	vst v17;
	v17 =	vmul.f32 v38, v20;
	v31 =	vadd.f32 v42, v5;
	v5 =	vmul.f32 v32, v49;
	v32 =	vld [tilespmem:s16+$0x140]  }
0x57: {  	v2 =	vld [tilespmem:s16+$0x90];
	v36 =	vmul.f32 v38, v60;
	v42 =	vmul.f32 v39, v50;
	v16 =	vadd.f32 v52, v16  }
0x58: {  	v38 =	vmul.f32 v41, v57;
	v3 =	vadd.f32 v37, v3;
	[tilespmem:$0x1FCF0] =	vst v5;
	v5 =	vld [tilespmem:s16+$0x150];
	v31 =	vadd.f32 v55, v31  }
0x59: {  	v52 =	vld [tilespmem:s16+$0x80];
	v13 =	vadd.f32 v42, v13;
	v16 =	vadd.f32 v28, v16;
	v28 =	vmul.f32 v41, v46  }
0x5a: {  	v30 =	vadd.f32 v30, v3;
	v3 =	vmul.f32 v4, v19;
	v4 =	vmul.f32 v4, v47  }
0x5b: {  	v34 =	vld [tilespmem:s16+$0x20];
	v28 =	vadd.f32 v28, v31;
	v15 =	vadd.f32 v15, v16;
	v16 =	vmul.f32 v32, v25  }
0x5c: {  	v31 =	vmul.f32 v2, v49;
	v14 =	vadd.f32 v14, v30;
	v30 =	vld [tilespmem:s16+$0x0];
	v32 =	vmul.f32 v32, v56  }
0x5d: {  	v2 =	vmul.f32 v2, v22;
	v55 =	vmul.f32 v5, v23;
	v16 =	vadd.f32 v16, v28;
	v28 =	vld [tilespmem:s16+$0x10]  }
0x5e: {  	v33 =	vmul.f32 v52, v59;
	v9 =	vadd.f32 v9, v15;
	v12 =	vadd.f32 v12, v14  }
0x5f: {  	v15 =	vmul.f32 v52, v23;
	v14 =	vld [tilespmem:s16+$0x70];
	v5 =	vmul.f32 v5, v59;
	v16 =	vadd.f32 v55, v16  }
0x60: {  	v52 =	vadd.f32 v8, v9;
	v8 =	vmul.f32 v40, v58;
	v9 =	vld [tilespmem:s16+$0x50];
	v41 =	vadd.f32 v10, v12  }
0x61: {  	v10 =	vld [tilespmem:s16+$0x30];
	v40 =	vmul.f32 v34, v54;
	v34 =	vmul.f32 v34, v44;
	v11 =	vadd.f32 v11, v16  }
0x62: {  	v12 =	vmul.f32 v30, v43;
	v8 =	vadd.f32 v8, v13;
	v39 =	vmul.f32 v28, v24  }
0x63: {  	v30 =	vmul.f32 v30, v51;
	v16 =	vld [tilespmem:s16+$0x40];
	v28 =	vmul.f32 v28, v21;
	v11 =	vadd.f32 v29, v11  }
0x64: {  	v13 =	vld [tilespmem:s16+$0xFFFFFF30];
	v29 =	vmul.f32 v14, v25;
	v8 =	vadd.f32 v38, v8;
	v12 =	vadd.f32 v39, v12  }
0x65: {  	v28 =	vadd.f32 v28, v30;
	v30 =	vld [tilespmem:s16+$0xFFFFFF40];
	v42 =	vmul.f32 v9, v58;
	v9 =	vmul.f32 v9, v53  }
0x66: {  	v7 =	vadd.f32 v7, v11;
	v11 =	vmul.f32 v10, v61;
	v26 =	vadd.f32 v32, v8  }
0x67: {  	v10 =	vmul.f32 v10, v48;
	v8 =	vld [tilespmem:s16+$0x60];
	v12 =	vadd.f32 v40, v12;
	v28 =	vadd.f32 v34, v28  }
0x68: {  	v38 =	vld [tilespmem:s16+$0xFFFFFF50];
	v39 =	vmul.f32 v16, v50;
	v16 =	vmul.f32 v16, v63;
	v55 =	vadd.f32 v6, v7  }
0x69: {  	v6 =	vld [tilespmem:s16+$0xFFFFFF60];
	v7 =	vmul.f32 v13, v43;
	v11 =	vadd.f32 v11, v12;
	v10 =	vadd.f32 v10, v28  }
0x6a: {  	v13 =	vmul.f32 v13, v51;
	v12 =	vmul.f32 v30, v24  }
0x6b: {  	v28 =	vmul.f32 v30, v21;
	v11 =	vadd.f32 v39, v11;
	v10 =	vadd.f32 v16, v10  }
0x6c: {  	v30 =	vld [tilespmem:s16+$0xFFFFFF70];
	v40 =	vmul.f32 v8, v57;
	v8 =	vmul.f32 v8, v46;
	v7 =	vadd.f32 v12, v7  }
0x6d: {  	v16 =	vld [tilespmem:s16+$0xFFFFFF80];
	v12 =	vmul.f32 v38, v54;
	v13 =	vadd.f32 v28, v13;
	v28 =	vmul.f32 v38, v44  }
0x6e: {  	v11 =	vadd.f32 v42, v11;
	v9 =	vadd.f32 v9, v10;
	v10 =	vmul.f32 v6, v61  }
0x6f: {  	[tilespmem:$0x1FDD0] =	vst v51;
	v6 =	vmul.f32 v6, v48;
	v7 =	vadd.f32 v12, v7;
	v13 =	vadd.f32 v28, v13;
	v28 =	vld [tilespmem:s16+$0xFFFFFF90]  }
0x70: {  	[tilespmem:$0x1FDF0] =	vst v21;
	v14 =	vmul.f32 v14, v56;
	v42 =	vld [tilespmem:s16+$0xFFFFFE60];
	v11 =	vadd.f32 v40, v11;
	v8 =	vadd.f32 v8, v9  }
0x71: {  	[tilespmem:$0x1FE00] =	vst v60;
	v9 =	vld [tilespmem:s16+$0xFFFFFE70];
	v7 =	vadd.f32 v10, v7;
	v10 =	vmul.f32 v30, v50;
	v6 =	vadd.f32 v6, v13  }
0x72: {  	[tilespmem:$0x1FE20] =	vst v54;
	v13 =	vmul.f32 v30, v63;
	v30 =	vld [tilespmem:s16+$0xFFFFFFA0];
	v11 =	vadd.f32 v14, v11;
	v14 =	vmul.f32 v16, v58  }
0x73: {  	[tilespmem:$0x1FE30] =	vst v22;
	v16 =	vmul.f32 v16, v53;
	v8 =	vadd.f32 v29, v8;
	v7 =	vadd.f32 v10, v7  }
0x74: {  	[tilespmem:$0x1FE50] =	vst v23;
	v29 =	vld [tilespmem:s16+$0xFFFFFE80];
	v6 =	vadd.f32 v13, v6;
	v13 =	vmul.f32 v28, v57;
	v11 =	vadd.f32 v33, v11  }
0x75: {  	[tilespmem:$0x1FD00] =	vst v17;
	v10 =	vld [tilespmem:s16+$0xFFFFFFB0];
	v17 =	vadd.f32 v15, v8;
	v15 =	vmul.f32 v42, v51;
	v7 =	vadd.f32 v14, v7  }
0x76: {  	[tilespmem:$0x1FE60] =	vst v44;
	v8 =	vld [tilespmem:s16+$0xFFFFFE90];
	v14 =	vmul.f32 v28, v46;
	v6 =	vadd.f32 v16, v6;
	v16 =	vmul.f32 v9, v21  }
0x77: {  	[tilespmem:$0x1FE70] =	vst v25;
	v28 =	vld [tilespmem:s16+$0xFFFFFFC0];
	v11 =	vadd.f32 v31, v11;
	v7 =	vadd.f32 v13, v7;
	v13 =	vmul.f32 v30, v56  }
0x78: {  	[tilespmem:$0x1FE80] =	vst v61;
	v6 =	vadd.f32 v14, v6;
	v14 =	vmul.f32 v30, v25;
	v15 =	vadd.f32 v16, v15;
	v16 =	vld [tilespmem:s16+$0xFFFFFE50]  }
0x79: {  	[tilespmem:$0x1FE90] =	vst v20;
	v30 =	vld [tilespmem:s16+$0xFFFFFEA0];
	v11 =	vadd.f32 v36, v11;
	v7 =	vadd.f32 v13, v7;
	v13 =	vmul.f32 v29, v44  }
0x7a: {  	[tilespmem:$0x1FEB0] =	vst v46;
	v12 =	vld [tilespmem:s16+$0xFFFFFFD0];
	v31 =	vmul.f32 v10, v59;
	v10 =	vmul.f32 v10, v23;
	v6 =	vadd.f32 v14, v6  }
0x7b: {  	[tilespmem:$0x1FEC0] =	vst v48;
	v35 =	vld [tilespmem:s16+$0x330];
	v14 =	vmul.f32 v8, v48;
	v1 =	vadd.f32 v1, v11;
	v13 =	vadd.f32 v13, v15  }
0x7c: {  	[tilespmem:$0x1FEE0] =	vst v63;
	v37 =	vld [tilespmem:s16+$0xFFFFFF10];
	v7 =	vadd.f32 v31, v7;
	v15 =	vmul.f32 v28, v22;
	v28 =	vmul.f32 v28, v49  }
0x7d: {  	[tilespmem:$0x1FD20] =	vst v2;
	v6 =	vadd.f32 v10, v6;
	v10 =	vld [tilespmem:s16+$0xFFFFFEB0];
	v31 =	vadd.f32 v0, v1;
	v2 =	vmul.f32 v16, v18  }
0x7e: {  	[tilespmem:$0x1FEF0] =	vst v18;
	v11 =	vld [tilespmem:s16+$0xFFFFFE40];
	v1 =	vadd.f32 v14, v13;
	v13 =	vmul.f32 v30, v63;
	v7 =	vadd.f32 v28, v7  }
0x7f: {  	[tilespmem:$0x1FF00] =	vst v19;
	v0 =	vld [tilespmem:s16+$0xFFFFFD80];
	v14 =	vmul.f32 v12, v60;
	v6 =	vadd.f32 v15, v6;
	v12 =	vmul.f32 v12, v20  }
0x80: {  	v9 =	vmul.f32 v9, v24;
	[tilespmem:$0x1FD30] =	vst v2;
	v2 =	vld [tilespmem:s16+$0xFFFFFD70];
	v1 =	vadd.f32 v13, v1;
	v13 =	vmul.f32 v42, v43  }
0x81: {  	[tilespmem:$0x1FF20] =	vst v45;
	v7 =	vadd.f32 v14, v7;
	v14 =	vld [tilespmem:s16+$0xFFFFFEC0];
	v6 =	vadd.f32 v12, v6;
	v12 =	vmul.f32 v16, v45  }
0x82: {  	[tilespmem:$0x1FD10] =	vst v5;
	v5 =	vadd.f32 v9, v13;
	v9 =	vld [tilespmem:s16+$0xFFFFFE30];
	v13 =	vmul.f32 v10, v53  }
0x83: {  	v33 =	vld [tilespmem:s16+$0xFFFFFF00];
	[tilespmem:$0x1FD40] =	vst v12;
	v12 =	vmul.f32 v29, v54;
	v4 =	vadd.f32 v4, v7;
	v7 =	vmul.f32 v11, v19  }
0x84: {  	v38 =	vmovc v53;
	v53 =	vmul.f32 v11, v47;
	v11 =	vmul.f32 v0, v45;
	v1 =	vadd.f32 v13, v1;
	v13 =	vld [tilespmem:s16+$0xFFFFFE20]  }
0x85: {  	v3 =	vadd.f32 v3, v6;
	v0 =	vmul.f32 v0, v18;
	[tilespmem:$0x1FD50] =	vst v7;
	v7 =	vld [tilespmem:s16+$0xFFFFFED0];
	v5 =	vadd.f32 v12, v5  }
0x86: {  	[tilespmem:$0x1FD60] =	vst v11;
	v12 =	vld [tilespmem:s16+$0xFFFFFD90];
	v29 =	vadd.f32 v27, v4;
	v4 =	vmul.f32 v2, v47;
	v2 =	vmul.f32 v2, v19  }
0x87: {  	[tilespmem:$0x1FD70] =	vst v0;
	v28 =	vadd.f32 v62, v3;
	v62 =	vld [tilespmem:s16+$0xFFFFFD50];
	v11 =	vmul.f32 v14, v46;
	v6 =	vmul.f32 v9, v20  }
0x88: {  	[tilespmem:$0x1FDB0] =	vst v2;
	v2 =	vld [tilespmem:s16+$0xFFFFFD60];
	v0 =	vmul.f32 v9, v60  }
0x89: {  	v1 =	vadd.f32 v11, v1;
	v11 =	vld [tilespmem:s16+$0xFFFFFEE0];
	[tilespmem:$0x1FD90] =	vst v6;
	v6 =	vmul.f32 v8, v61  }
0x8a: {  	[tilespmem:$0x1FD80] =	vst v0;
	v0 =	vld [tilespmem:s16+$0xFFFFFDA0];
	v32 =	vmul.f32 v13, v49;
	v3 =	vmul.f32 v13, v22  }
0x8b: {  	v34 =	vld [tilespmem:s16+$0xFFFFFF20];
	[tilespmem:$0x1FDA0] =	vst v4;
	v8 =	vmul.f32 v12, v43;
	v13 =	vmul.f32 v33, v20  }
0x8c: {  	v15 =	vld [tilespmem:s16+$0xFFFFFEF0];
	v4 =	vadd.f32 v6, v5;
	v5 =	vmul.f32 v7, v25;
	[tilespmem:$0x1FDC0] =	vst v3;
	v3 =	vmul.f32 v30, v50  }
0x8d: {  	[tilespmem:$0x1FF50] =	vst v47;
	v6 =	vld [tilespmem:s16+$0xFFFFFDB0];
	v60 =	vmul.f32 v2, v60;
	v2 =	vmul.f32 v2, v20  }
0x8e: {  	v30 =	vmul.f32 v62, v49;
	[tilespmem:$0x1FDE0] =	vst v11;
	v11 =	vmul.f32 v11, v23;
	v1 =	vadd.f32 v5, v1;
	v5 =	vld [tilespmem:s16+$0xFFFFFE10]  }
0x8f: {  	v3 =	vadd.f32 v3, v4;
	[tilespmem:$0x1FE10] =	vst v2;
	v2 =	vmul.f32 v10, v58;
	v10 =	vld [tilespmem:s16+$0xFFFFFDC0];
	v9 =	vmul.f32 v0, v24  }
0x90: {  	[tilespmem:$0x1FF80] =	vst v49;
	v4 =	vmul.f32 v12, v51;
	v51 =	vld [tilespmem:s16+$0xFFFFFD40];
	v0 =	vmul.f32 v0, v21;
	v1 =	vadd.f32 v11, v1  }
0x91: {  	[tilespmem:$0x1FF90] =	vst v59;
	v12 =	vld [tilespmem:s16+$0xFFFFFDE0];
	v2 =	vadd.f32 v2, v3;
	v3 =	vmul.f32 v15, v22;
	v8 =	vadd.f32 v9, v8  }
0x92: {  	[tilespmem:$0x1FFA0] =	vst v56;
	v11 =	vld [tilespmem:s16+$0xFFFFFDF0];
	v0 =	vadd.f32 v0, v4;
	v4 =	vmul.f32 v7, v56;
	v7 =	vmul.f32 v6, v54  }
0x93: {  	[tilespmem:$0x1FFB0] =	vst v57;
	v9 =	vld [tilespmem:s16+$0xFFFFFE00];
	v3 =	vadd.f32 v3, v1;
	v1 =	vmul.f32 v14, v57;
	v54 =	vmul.f32 v5, v23  }
0x94: {  	[tilespmem:$0x1FFC0] =	vst v58;
	v39 =	vld [tilespmem:s16+$0xFFFFFD30];
	v27 =	vmul.f32 v5, v59;
	v5 =	vmul.f32 v6, v44  }
0x95: {  	[tilespmem:$0x1FFD0] =	vst v43;
	v14 =	vld [tilespmem:s16+$0xFFFFFDD0];
	v8 =	vadd.f32 v7, v8;
	v6 =	vmul.f32 v10, v61;
	v10 =	vmul.f32 v10, v48  }
0x96: {  	[tilespmem:$0x1FFE0] =	vst v24;
	v16 =	vld [tilespmem:s16+$0x320];
	v61 =	vmul.f32 v12, v58;
	v12 =	vmul.f32 v12, v38;
	v2 =	vadd.f32 v1, v2  }
0x97: {  	[tilespmem:$0x1FFF0] =	vst v50;
	v40 =	vmul.f32 v51, v59;
	v1 =	vld [tilespmem:s16+$0xFFFFFD20];
	v3 =	vadd.f32 v13, v3;
	v5 =	vadd.f32 v5, v0  }
0x98: {  	[tilespmem:$0x1FF30] =	vst v35;
	v13 =	vld [tilespmem:s16+$0xFFFFFCC0];
	v7 =	vmul.f32 v11, v57;
	v8 =	vadd.f32 v6, v8;
	v44 =	vmul.f32 v9, v56  }
0x99: {  	[tilespmem:$0x1FF10] =	vst v37;
	v6 =	vld [tilespmem:s16+$0xFFFFFD10];
	v0 =	vmul.f32 v9, v25;
	v9 =	vmul.f32 v11, v46;
	v42 =	vadd.f32 v4, v2  }
0x9a: {  	[tilespmem:$0x1FED0] =	vst v38;
	v2 =	vmul.f32 v37, v19;
	v11 =	vld [tilespmem:s16+$0xFFFFFD00];
	v5 =	vadd.f32 v10, v5;
	v10 =	vmul.f32 v14, v50  }
0x9b: {  	[tilespmem:$0x1FE40] =	vst v15;
	v15 =	vmul.f32 v14, v63;
	v14 =	vld [tilespmem:s16+$0xFFFFFCD0];
	v63 =	vmul.f32 v34, v18  }
0x9c: {  	[tilespmem:$0x1FEA0] =	vst v33;
	v3 =	vadd.f32 v2, v3;
	v4 =	vadd.f32 v10, v8;
	v8 =	vmul.f32 v35, v45  }
0x9d: {  	v46 =	vmovc v34;
	v2 =	vmul.f32 v39, v56;
	v34 =	vadd.f32 v15, v5;
	v10 =	vmul.f32 v1, v57;
	v15 =	vld [tilespmem:s16+$0xFFFFFCF0]  }
0x9e: {  	v37 =	vmul.f32 v13, v43;
	v5 =	vld [tilespmem:s16+$0x280];
	[tilespmem:$0x1FF40] =	vst v8;
	v8 =	vmul.f32 v16, v47  }
0x9f: {  	s17 =	spop (v2sf);
	[tilespmem:$0x1FF60] =	vst v16;
	v3 =	vadd.f32 v63, v3;
	v16 =	vld [tilespmem:s16+$0xFFFFFCE0];
	v35 =	vadd.f32 v61, v4;
	v33 =	vmul.f32 v11, v50  }
0xa0: {  	s20 =	simm.s32 $0x40;
	s18 =	simm.s32 $0x0;
	s19 =	spop (v2sf);
	v4 =	vld [tilespmem:s16+$0x270];
	v38 =	vmul.f32 v14, v24;
	[tilespmem:$0x1FF70] =	vst v8;
	v8 =	vmul.f32 v6, v58;
	v58 =	vmov v26  }
.LBB2_2:
0xa1: {  	v23 =	vld [tilespmem:$0x1FE20]  }
0xa2: {  	v50 =	vld [tilespmem:$0x1FDD0]  }
0xa3: {  	v57 =	vld [tilespmem:$0x1FDF0]  }
0xa4: {  	v20 =	vld [tilespmem:$0x1FE80];
	_ =	sdelay $0x1  }
0xa5: {  	v25 =	vld [tilespmem:$0x1FE60]  }
0xa6: {  	v37 =	vadd.f32 v38, v37;
	v47 =	vmul.f32 v16, v23  }
0xa7: {  	v12 =	vadd.f32 v12, v34;
	v13 =	vmul.f32 v13, v50  }
0xa8: {  	v14 =	vmul.f32 v14, v57;
	v63 =	vmul.f32 v15, v20;
	v61 =	vadd.f32 v47, v37  }
0xa9: {  	v56 =	vld [tilespmem:$0x1FFD0];
	v9 =	vadd.f32 v9, v12  }
0xaa: {  	v12 =	vadd.f32 v14, v13;
	v13 =	vmul.f32 v16, v25;
	v16 =	vadd.f32 v63, v61;
	v61 =	vld [tilespmem:$0x1FEC0]  }
0xab: {  	v26 =	vld [tilespmem:$0x1FFE0]  }
0xac: {  	v59 =	vld [tilespmem:$0x1FEE0]  }
0xad: {  	v45 =	vld [tilespmem:$0x1FED0]  }
0xae: {  	v49 =	vld [tilespmem:$0x1FFF0]  }
0xaf: {  	v48 =	vld [tilespmem:$0x1FEB0];
	v12 =	vadd.f32 v13, v12;
	v13 =	vmul.f32 v15, v61  }
0xb0: {  	v43 =	vld [tilespmem:$0x1FE70]  }
0xb1: {  	v36 =	vld [tilespmem:$0x1FFA0];
	v11 =	vmul.f32 v11, v59;
	v12 =	vadd.f32 v13, v12  }
0xb2: {  	(xrf2) =	vadd.scan.msk.f32 $0xffff, v52;
	v7 =	vadd.f32 v7, v35;
	v34 =	vld [tilespmem:s16+$0x290]  }
0xb3: {  	(xrf2) =	vadd.scan.msk.f32 $0xffff, v41;
	v38 =	vld [tilespmem:$0x1FFB0];
	v6 =	vmul.f32 v6, v45;
	v11 =	vadd.f32 v11, v12  }
0xb4: {  	v7 =	vadd.f32 v44, v7;
	(xrf2) =	vadd.scan.msk.f32 $0xffff, v55;
	v55 =	vld [tilespmem:$0x1FE00]  }
0xb5: {  	(xrf2) =	vadd.scan.msk.f32 $0xffff, v31;
	v31 =	vld [tilespmem:$0x1FF80];
	v1 =	vmul.f32 v1, v48;
	v6 =	vadd.f32 v6, v11  }
0xb6: {  	v7 =	vadd.f32 v27, v7;
	v14 =	vld [tilespmem:s16+$0x2A0];
	v15 =	vadd.f32 v33, v16  }
0xb7: {  	v21 =	vmul.f32 v4, v56;
	v22 =	vmul.f32 v5, v26;
	v6 =	vadd.f32 v1, v6;
	v1 =	vld [tilespmem:$0x1FD80]  }
0xb8: {  	v0 =	vadd.f32 v0, v9;
	v9 =	vld [tilespmem:s16+$0x2B0];
	v8 =	vadd.f32 v8, v15  }
0xb9: {  	v27 =	vld [tilespmem:s16+$0x2D0];
	v41 =	vmul.f32 v34, v23;
	v16 =	vadd.f32 v22, v21  }
0xba: {  	v4 =	vmul.f32 v4, v50;
	v7 =	vadd.f32 v32, v7;
	v47 =	vld [tilespmem:$0x1FFC0];
	v8 =	vadd.f32 v10, v8  }
0xbb: {  	v5 =	vmul.f32 v5, v57;
	v13 =	vld [tilespmem:s16+$0x2C0];
	v15 =	vadd.f32 v41, v16;
	v16 =	vmul.f32 v14, v20  }
0xbc: {  	v32 =	vld [tilespmem:$0x1FE50];
	v2 =	vadd.f32 v2, v8;
	v7 =	vadd.f32 v1, v7  }
0xbd: {  	v4 =	vadd.f32 v5, v4;
	v33 =	vld [tilespmem:$0x1FF90];
	v10 =	vadd.f32 v16, v15;
	v15 =	vmul.f32 v9, v49  }
0xbe: {  	v5 =	vmul.f32 v34, v25;
	v18 =	vadd.f32 v40, v2;
	v7 =	vadd.f32 v53, v7;
	v53 =	vld [tilespmem:$0x1FE30]  }
0xbf: {  	v12 =	vadd.f32 v54, v0;
	v0, _, _ =	vpop (xrf2);
	(xrf2) =	vadd.scan.msk.f32 $0xffff, v29;
	v11 =	vld [tilespmem:s16+$0x2E0];
	v8 =	vadd.f32 v15, v10;
	v15 =	vmul.f32 v39, v43  }
0xc0: {  	v4 =	vadd.f32 v5, v4;
	v10 =	vmul.f32 v13, v47;
	v1, _, _ =	vpop (xrf2);
	(xrf2) =	vadd.scan.msk.f32 $0xffff, v28;
	v28 =	vadd.f32 v30, v18;
	v18 =	vld [tilespmem:$0x1FD40]  }
0xc1: {  	v5 =	vmul.f32 v14, v61;
	v14 =	vld [tilespmem:$0x1FDC0];
	v6 =	vadd.f32 v15, v6;
	v15 =	vmul.f32 v51, v32  }
0xc2: {  	v16 =	vld [tilespmem:s16+$0x2F0];
	v8 =	vadd.f32 v10, v8;
	v10 =	vmul.f32 v27, v38  }
0xc3: {  	v29 =	vld [tilespmem:s16+$0x300];
	v19 =	vadd.f32 v15, v6;
	v15 =	vmul.f32 v62, v53  }
0xc4: {  	v8 =	vadd.f32 v10, v8;
	v30 =	vld [tilespmem:s16+$0x310]  }
0xc5: {  	v10 =	vmul.f32 v11, v36;
	v2, _, _ =	vpop (xrf2);
	(xrf2) =	vadd.scan.msk.f32 $0xffff, v3;
	v7 =	vadd.f32 v18, v7;
	v3 =	vadd.f32 v15, v19;
	v15 =	vld [tilespmem:$0x1FDA0]  }
0xc6: {  	v18 =	vld [tilespmem:$0x1FE10]  }
0xc7: {  	v8 =	vadd.f32 v10, v8;
	v10 =	vmul.f32 v16, v33;
	v6, _, _ =	vpop (xrf2);
	(xrf2) =	vadd.scan.msk.f32 $0xffff, v7;
	v7 =	vld [tilespmem:$0x1FD60]  }
0xc8: {  	v28 =	vadd.f32 v60, v28  }
0xc9: {  	v8 =	vadd.f32 v10, v8;
	v10 =	vmul.f32 v29, v31  }
0xca: {  	v19 =	vadd.f32 v15, v28  }
0xcb: {  	v12 =	vadd.f32 v14, v12;
	v14 =	vld [tilespmem:$0x1FDE0];
	v8 =	vadd.f32 v10, v8;
	v10 =	vmul.f32 v30, v55  }
0xcc: {  	v3 =	vadd.f32 v18, v3;
	v18 =	vld [tilespmem:$0x1FDB0];
	v7 =	vadd.f32 v7, v19  }
0xcd: {  	v8 =	vadd.f32 v10, v8;
	v10 =	vld [tilespmem:$0x1FE40]  }
0xce: {  	v15, _, _ =	vpop (xrf2);
	(xrf2) =	vadd.scan.msk.f32 $0xffff, v7;
	v7 =	vld [tilespmem:$0x1FD70];
	_ =	sdelay $0x2  }
0xcf: {  	v14 =	vmul.f32 v14, v33;
	v3 =	vadd.f32 v18, v3  }
0xd0: {  	v4 =	vadd.f32 v5, v4;
	v5 =	vmul.f32 v9, v59  }
0xd1: {  	v9 =	vadd.f32 v14, v42;
	v10 =	vmul.f32 v10, v31;
	v3 =	vadd.f32 v7, v3  }
0xd2: {  	v14 =	vld [tilespmem:$0x1FF70]  }
0xd3: {  	v7, _, _ =	vpop (xrf2);
	(xrf2) =	vadd.scan.msk.f32 $0xffff, v3;
	v3 =	vadd.f32 v10, v9;
	v9 =	vld [tilespmem:$0x1FEA0]  }
0xd4: {  	v10 =	vld [tilespmem:$0x1FF40];
	_ =	sdelay $0x2  }
0xd5: {  	v8 =	vadd.f32 v14, v8;
	v14 =	vld [tilespmem:$0x1FD90]  }
0xd6: {  	v4 =	vadd.f32 v5, v4;
	v5 =	vmul.f32 v13, v45;
	v13 =	vld [tilespmem:$0x1FD50];
	v9 =	vmul.f32 v9, v55  }
0xd7: {  	v19 =	vld [tilespmem:$0x1FF50];
	v8 =	vadd.f32 v10, v8  }
0xd8: {  	v3 =	vadd.f32 v9, v3;
	v9 =	vld [tilespmem:$0x1FF10]  }
0xd9: {  	v10, _, _ =	vpop (xrf2);
	(xrf2) =	vadd.scan.msk.f32 $0xffff, v8;
	v8 =	vld [tilespmem:$0x1FD30]  }
0xda: {  	v12 =	vadd.f32 v14, v12;
	v18 =	vld [tilespmem:$0x1FF20];
	_ =	sdelay $0x1  }
0xdb: {  	v12 =	vadd.f32 v13, v12  }
0xdc: {  	v9 =	vmul.f32 v9, v19  }
0xdd: {  	v4 =	vadd.f32 v5, v4;
	v5 =	vmul.f32 v27, v48;
	v13 =	vld [tilespmem:$0x1FD20];
	v8 =	vadd.f32 v8, v12  }
0xde: {  	v12 =	vld [tilespmem:$0x1FD10];
	v3 =	vadd.f32 v9, v3;
	v9 =	vmul.f32 v46, v18  }
0xdf: {  	v4 =	vadd.f32 v5, v4;
	v5 =	vmul.f32 v11, v43;
	v11, _, _ =	vpop (xrf2);
	(xrf2) =	vadd.scan.msk.f32 $0xffff, v8;
	v8 =	vld [tilespmem:$0x1FCF0]  }
0xe0: {  	v3 =	vadd.f32 v9, v3;
	v9 =	vld [tilespmem:$0x1FCD0]  }
0xe1: {  	v14 =	vld [tilespmem:$0x1FD00];
	_ =	sdelay $0x1  }
0xe2: {  	v13 =	vadd.f32 v13, v17;
	v17 =	vadd.f32 v12, v58;
	_ =	sdelay $0x1  }
0xe3: {  	v41 =	vld [tilespmem:$0x1FE90];
	v8 =	vadd.f32 v8, v17;
	v9 =	vmul.f32 v9, v55  }
0xe4: {  	v4 =	vadd.f32 v5, v4;
	v5 =	vmul.f32 v16, v32;
	v13 =	vadd.f32 v14, v13;
	v14 =	vld [tilespmem:$0x1FCE0]  }
0xe5: {  	v8 =	vadd.f32 v9, v8;
	v9 =	vld [tilespmem:$0x1FCB0]  }
0xe6: {  	v4 =	vadd.f32 v5, v4;
	v5 =	vmul.f32 v29, v53  }
0xe7: {  	v12, _, _ =	vpop (xrf2);
	(xrf2) =	vadd.scan.msk.f32 $0xffff, v3;
	v3 =	vld [tilespmem:$0x1FCC0]  }
0xe8: {  	v4 =	vadd.f32 v5, v4;
	v5 =	vmul.f32 v30, v41;
	_ =	sdelay $0x1  }
0xe9: {  	v4 =	vadd.f32 v5, v4;
	v5 =	vld [tilespmem:$0x1FF60];
	v14 =	vadd.f32 v14, v13;
	v9 =	vmul.f32 v9, v19  }
0xea: {  	v17 =	vld [tilespmem:$0x1FF00]  }
0xeb: {  	v3 =	vadd.f32 v3, v14;
	v14 =	vadd.f32 v9, v8;
	v9 =	vld [tilespmem:$0x1FCA0];
	_ =	sdelay $0x4  }
0xec: {  	v5 =	vmul.f32 v5, v17;
	v9 =	vmul.f32 v9, v18  }
0xed: {  	v16 =	vld [tilespmem:$0x1FEF0]  }
0xee: {  	v13, _, _ =	vpop (xrf2);
	(xrf2) =	vadd.scan.msk.f32 $0xffff, v3;
	v3 =	vadd.f32 v9, v14;
	v9 =	vadd.f32 v5, v4;
	v5 =	vld [tilespmem:$0x1FF30];
	_ =	sdelay $0x3  }
0xef: {  	v8, _, _ =	vpop (xrf2)  }
0xf0: {  	(v2sf) =	vpush v8, $0xF;
	v5 =	vmul.f32 v5, v16  }
0xf1: {  	(v2sf) =	vpush v13, $0xF;
	(xrf2) =	vadd.scan.msk.f32 $0xffff, v3  }
0xf2: {  	(v2sf) =	vpush v12, $0xF;
	v4, _, _ =	vpop (xrf2);
	v5 =	vadd.f32 v5, v9  }
0xf3: {  	(v2sf) =	vpush v4, $0xF  }
0xf4: {  	(v2sf) =	vpush v11, $0xF;
	(xrf2) =	vadd.scan.msk.f32 $0xffff, v5  }
0xf5: {  	(v2sf) =	vpush v10, $0xF;
	v3, _, _ =	vpop (xrf2)  }
0xf6: {  	(v2sf) =	vpush v3, $0xF  }
0xf7: {  	(v2sf) =	vpush v7, $0xF  }
0xf8: {  	v3, _, _ =	vpop (xrf2);
	(v2sf) =	vpush v15, $0xF  }
0xf9: {  	(v2sf) =	vpush v3, $0xF  }
0xfa: {  	(v2sf) =	vpush v6, $0xF  }
0xfb: {  	(v2sf) =	vpush v2, $0xF;
	v2, _, _ =	vpop (xrf2)  }
0xfc: {  	(v2sf) =	vpush v2, $0xF  }
0xfd: {  	(v2sf) =	vpush v1, $0xF  }
0xfe: {  	(v2sf) =	vpush v0, $0xF;
	v0, _, _ =	vpop (xrf2)  }
0xff: {  	s21 =	spop (v2sf);
	(v2sf) =	vpush v0, $0xF  }
0x100: {  	s21 =	sadd.f32 s21, s19;
	s22 =	spop (v2sf)  }
0x101: {  	s22 =	sadd.f32 s22, s17;
	s23 =	spop (v2sf)  }
0x102: {  	s23 =	sadd.f32 s23, s19;
	s24 =	spop (v2sf);
	v0 =	vmov s21  }
0x103: {  	s25 =	spop (v2sf);
	s21 =	sadd.f32 s24, s17;
	v0 =	vsel vm0, s22, v0  }
0x104: {  	s26 =	spop (v2sf);
	s22 =	sadd.f32 s25, s19;
	v0 =	vsel vm1, s23, v0  }
0x105: {  	s28 =	spop (v2sf);
	s23 =	sadd.f32 s26, s17;
	v0 =	vsel vm2, s21, v0  }
0x106: {  	s29 =	spop (v2sf);
	s21 =	sadd.f32 s28, s19;
	v0 =	vsel vm3, s22, v0  }
0x107: {  	s30 =	spop (v2sf);
	s22 =	sadd.f32 s29, s17;
	v0 =	vsel vm4, s23, v0  }
0x108: {  	s31 =	spop (v2sf);
	s23 =	sadd.f32 s30, s19;
	v0 =	vsel vm5, s21, v0  }
0x109: {  	s24 =	spop (v2sf);
	s21 =	sadd.f32 s31, s17;
	v0 =	vsel vm6, s22, v0  }
0x10a: {  	s25 =	spop (v2sf);
	s22 =	sadd.f32 s24, s19;
	v0 =	vsel vm7, s23, v0  }
0x10b: {  	s23 =	sadd.f32 s25, s17;
	s26 =	spop (v2sf);
	v0 =	vsel vm8, s21, v0  }
0x10c: {  	s21 =	sadd.f32 s26, s19;
	s28 =	spop (v2sf);
	v0 =	vsel vm9, s22, v0  }
0x10d: {  	s22 =	sadd.f32 s28, s17;
	s29 =	spop (v2sf);
	v0 =	vsel vm10, s23, v0  }
0x10e: {  	s23 =	sadd.f32 s29, s19;
	v0 =	vsel vm11, s21, v0;
	s30 =	spop (v2sf)  }
0x10f: {  	v0 =	vsel vm12, s22, v0;
	s21 =	sadd.f32 s30, s17  }
0x110: {  	v0 =	vsel vm13, s23, v0  }
0x111: {  	s31 =	sshra.s32 s18, $0x2;
	v0 =	vsel vm14, s21, v0  }
0x112: {  	s16 =	sadd.s32 $0x680, s16;
	[tilespmem:s31+$0x1BBB0] =	vst v0  }
0x113: {  	v0 =	vld [tilespmem:s16+$0x190];
	_ =	sdelay $0x1  }
0x114: {  	v2 =	vld [tilespmem:s16+$0x250];
	_ =	sdelay $0x1  }
0x115: {  	v4 =	vld [tilespmem:s16+$0xC0]  }
0x116: {  	[tilespmem:$0x1FCA0] =	vst v0;
	v0 =	vmul.f32 v0, v16  }
0x117: {  	v8 =	vld [tilespmem:s16+$0x180]  }
0x118: {  	[tilespmem:$0x1FB10] =	vst v0;
	v0 =	vmul.f32 v2, v17;
	_ =	sdelay $0x1  }
0x119: {  	[tilespmem:$0x1FAC0] =	vst v0;
	v0 =	vmul.f32 v4, v18  }
0x11a: {  	v10 =	vld [tilespmem:s16+$0x170]  }
0x11b: {  	[tilespmem:$0x1FBB0] =	vst v0;
	v0 =	vmul.f32 v8, v17  }
0x11c: {  	v6 =	vld [tilespmem:s16+$0xB0]  }
0x11d: {  	[tilespmem:$0x1FB00] =	vst v0;
	v0 =	vmul.f32 v4, v16;
	_ =	sdelay $0x1  }
0x11e: {  	[tilespmem:$0x1FCC0] =	vst v0;
	v0 =	vmul.f32 v10, v41  }
0x11f: {  	v7 =	vld [tilespmem:s16+$0xFFFFFFF0]  }
0x120: {  	[tilespmem:$0x1FAF0] =	vst v0;
	v0 =	vmul.f32 v6, v17;
	_ =	sdelay $0x1  }
0x121: {  	[tilespmem:$0x1FCE0] =	vst v0;
	v0 =	vmul.f32 v6, v19  }
0x122: {  	v12 =	vld [tilespmem:s16+$0x160]  }
0x123: {  	[tilespmem:$0x1FB70] =	vst v0;
	v0 =	vmul.f32 v7, v16  }
0x124: {  	v13 =	vld [tilespmem:s16+$0xA0]  }
0x125: {  	v1 =	vld [tilespmem:s16+$0x260];
	[tilespmem:$0x1FC30] =	vst v0;
	v0 =	vmul.f32 v7, v18;
	_ =	sdelay $0x1  }
0x126: {  	[tilespmem:$0x1FC20] =	vst v0;
	v0 =	vmul.f32 v12, v31  }
0x127: {  	v14 =	vld [tilespmem:s16+$0xFFFFFFE0]  }
0x128: {  	v3 =	vld [tilespmem:s16+$0x240];
	[tilespmem:$0x1FCF0] =	vst v0;
	v0 =	vmul.f32 v13, v41  }
0x129: {  	v9 =	vmul.f32 v1, v18;
	v1 =	vmul.f32 v1, v16  }
0x12a: {  	[tilespmem:$0x1FD00] =	vst v0;
	v0 =	vmul.f32 v13, v55  }
0x12b: {  	[tilespmem:$0x1FAE0] =	vst v1;
	v1 =	vld [tilespmem:s16+$0xFFFFFF20]  }
0x12c: {  	v5 =	vld [tilespmem:s16+$0x230];
	[tilespmem:$0x1FB60] =	vst v0;
	v0 =	vmul.f32 v14, v17  }
0x12d: {  	v40 =	vmul.f32 v3, v41;
	v39 =	vmul.f32 v3, v55;
	[tilespmem:$0x1FCB0] =	vst v8;
	v3 =	vld [tilespmem:s16+$0x150]  }
0x12e: {  	[tilespmem:$0x1FC10] =	vst v0;
	v0 =	vmul.f32 v14, v19  }
0x12f: {  	[tilespmem:$0x1FAD0] =	vst v9;
	v9 =	vmul.f32 v2, v19;
	v4 =	vld [tilespmem:s16+$0x90]  }
0x130: {  	[tilespmem:$0x1FC00] =	vst v0;
	v0 =	vmul.f32 v1, v16  }
0x131: {  	[tilespmem:$0x1FAB0] =	vst v9;
	v9 =	vmul.f32 v5, v31;
	v8 =	vmul.f32 v5, v53;
	v5 =	vld [tilespmem:s16+$0xFFFFFFD0]  }
0x132: {  	[tilespmem:$0x1FC90] =	vst v0;
	v0 =	vmul.f32 v3, v33;
	_ =	sdelay $0x1  }
0x133: {  	[tilespmem:$0x1FD10] =	vst v0;
	v0 =	vmul.f32 v4, v31  }
0x134: {  	v15 =	vld [tilespmem:s16+$0xFFFFFF10]  }
0x135: {  	[tilespmem:$0x1FB50] =	vst v0;
	v0 =	vmul.f32 v5, v55;
	_ =	sdelay $0x1  }
0x136: {  	[tilespmem:$0x1FBE0] =	vst v0;
	v0 =	vmul.f32 v4, v53  }
0x137: {  	v6 =	vld [tilespmem:s16+$0xFFFFFE50]  }
0x138: {  	[tilespmem:$0x1FD20] =	vst v0;
	v0 =	vmul.f32 v15, v17;
	_ =	sdelay $0x1  }
0x139: {  	[tilespmem:$0x1FC80] =	vst v0;
	v0 =	vmul.f32 v5, v41  }
0x13a: {  	v13 =	vld [tilespmem:s16+$0x80]  }
0x13b: {  	v2 =	vld [tilespmem:s16+$0x210];
	[tilespmem:$0x1FBF0] =	vst v0;
	v0 =	vmul.f32 v6, v16;
	_ =	sdelay $0x1  }
0x13c: {  	[tilespmem:$0x1FD30] =	vst v0;
	v0 =	vmul.f32 v6, v18  }
0x13d: {  	v14 =	vld [tilespmem:s16+$0xFFFFFFC0]  }
0x13e: {  	[tilespmem:$0x1FD40] =	vst v0;
	v0 =	vmul.f32 v13, v32  }
0x13f: {  	v27 =	vmul.f32 v2, v36;
	v30 =	vmul.f32 v2, v43;
	v2 =	vld [tilespmem:s16+$0xFFFFFE40]  }
0x140: {  	v44 =	vmul.f32 v12, v53;
	v12 =	vld [tilespmem:s16+$0x140];
	[tilespmem:$0x1FB40] =	vst v0;
	v0 =	vmul.f32 v13, v33  }
0x141: {  	v7 =	vld [tilespmem:s16+$0x200]  }
0x142: {  	[tilespmem:$0x1FB30] =	vst v0;
	v0 =	vmul.f32 v14, v53  }
0x143: {  	v21 =	vld [tilespmem:s16+$0xFFFFFF00];
	[tilespmem:$0x1FF10] =	vst v15  }
0x144: {  	[tilespmem:$0x1FBD0] =	vst v0;
	v0 =	vmul.f32 v14, v31  }
0x145: {  	v37 =	vmul.f32 v3, v32;
	[tilespmem:$0x1FC70] =	vst v1;
	v34 =	vmul.f32 v12, v36;
	v15 =	vld [tilespmem:s16+$0x70]  }
0x146: {  	v1 =	vmul.f32 v7, v38;
	v3 =	vld [tilespmem:s16+$0xFFFFFD80];
	[tilespmem:$0x1FBC0] =	vst v0;
	v0 =	vmul.f32 v2, v19  }
0x147: {  	v6 =	vmul.f32 v7, v48;
	v7 =	vmul.f32 v12, v43;
	v12 =	vld [tilespmem:s16+$0xFFFFFFB0]  }
0x148: {  	v42 =	vld [tilespmem:s16+$0x330];
	[tilespmem:$0x1FB90] =	vst v0;
	v0 =	vmul.f32 v21, v41  }
0x149: {  	v13 =	vld [tilespmem:s16+$0xFFFFFE30];
	v2 =	vmul.f32 v2, v17  }
0x14a: {  	v5 =	vld [tilespmem:s16+$0x130];
	[tilespmem:$0x1FC60] =	vst v0;
	v0 =	vmul.f32 v15, v43  }
0x14b: {  	v14 =	vld [tilespmem:s16+$0xFFFFFD70];
	[tilespmem:$0x1FD50] =	vst v2;
	v2 =	vmul.f32 v3, v16  }
0x14c: {  	v46 =	vmul.f32 v3, v18;
	v3 =	vld [tilespmem:s16+$0x320];
	[tilespmem:$0x1FB20] =	vst v0;
	v0 =	vmul.f32 v12, v32  }
0x14d: {  	[tilespmem:$0x1FD70] =	vst v2;
	v2 =	vmul.f32 v42, v18  }
0x14e: {  	v22 =	vld [tilespmem:s16+$0xFFFFFEF0];
	[tilespmem:$0x1FBA0] =	vst v0;
	v0 =	vmul.f32 v12, v33;
	v12 =	vmul.f32 v13, v55  }
0x14f: {  	v58 =	vld [tilespmem:s16+$0x1A0];
	[tilespmem:$0x1FF40] =	vst v2  }
0x150: {  	v24 =	vld [tilespmem:s16+$0xFFFFFEE0];
	v29 =	vmul.f32 v5, v38;
	[tilespmem:$0x1FD80] =	vst v12;
	v12 =	vmul.f32 v14, v19  }
0x151: {  	v16 =	vmul.f32 v5, v48;
	v5 =	vld [tilespmem:s16+$0x60];
	[tilespmem:$0x1FF60] =	vst v3;
	v3 =	vmul.f32 v3, v19  }
0x152: {  	[tilespmem:$0x1FDA0] =	vst v12;
	v12 =	vmul.f32 v13, v41;
	v13 =	vld [tilespmem:s16+$0x1B0]  }
0x153: {  	v28 =	vld [tilespmem:$0x1FE80];
	[tilespmem:$0x1FF70] =	vst v3  }
0x154: {  	[tilespmem:$0x1FD90] =	vst v12;
	v12 =	vmul.f32 v14, v17;
	v14 =	vld [tilespmem:s16+$0x1C0]  }
0x155: {  	v51 =	vld [tilespmem:s16+$0x1E0];
	v2 =	vmul.f32 v24, v32;
	[tilespmem:$0x1FB80] =	vst v0;
	v0 =	vmul.f32 v22, v53  }
0x156: {  	v3 =	vmul.f32 v5, v48;
	v19 =	vld [tilespmem:s16+$0xFFFFFD60];
	[tilespmem:$0x1FDB0] =	vst v12;
	v12 =	vmul.f32 v5, v38  }
0x157: {  	v60 =	vld [tilespmem:s16+$0x1D0];
	[tilespmem:$0x1FEA0] =	vst v21;
	v5 =	vmul.f32 v58, v56;
	v63 =	vmul.f32 v13, v26  }
0x158: {  	v21 =	vld [tilespmem:s16+$0xD0];
	[tilespmem:$0x1FC50] =	vst v0;
	v58 =	vmul.f32 v58, v50;
	v13 =	vmul.f32 v13, v57  }
0x159: {  	v0 =	vmovc v56;
	v56 =	vmovc v26;
	v26 =	vmov v23;
	v63 =	vadd.f32 v63, v5;
	v35 =	vmul.f32 v14, v23;
	v23 =	vld [tilespmem:s16+$0xE0]  }
0x15a: {  	[tilespmem:$0x1FE40] =	vst v22;
	v4 =	vld [tilespmem:s16+$0x1F0];
	v13 =	vadd.f32 v13, v58;
	v14 =	vmul.f32 v14, v25  }
0x15b: {  	[tilespmem:$0x1FC40] =	vst v2;
	v2 =	vmul.f32 v19, v55;
	v19 =	vmul.f32 v19, v41;
	v22 =	vadd.f32 v35, v63;
	v63 =	vld [tilespmem:s16+$0xF0]  }
0x15c: {  	v52 =	vld [tilespmem:s16+$0xFFFFFE20];
	v13 =	vadd.f32 v14, v13;
	v14 =	vmul.f32 v60, v61  }
0x15d: {  	v17 =	vmul.f32 v51, v59;
	[tilespmem:$0x1FE10] =	vst v19;
	v19 =	vld [tilespmem:s16+$0x100];
	v58 =	vmul.f32 v60, v28  }
0x15e: {  	v20 =	vld [tilespmem:s16+$0x110];
	v13 =	vadd.f32 v14, v13;
	v14 =	vmul.f32 v21, v50;
	v60 =	vmul.f32 v23, v57  }
0x15f: {  	[tilespmem:$0x1FD60] =	vst v46;
	v46 =	vmul.f32 v4, v45;
	v62 =	vmul.f32 v4, v47;
	v22 =	vadd.f32 v58, v22  }
0x160: {  	v11 =	vld [tilespmem:s16+$0x220];
	v17 =	vadd.f32 v17, v13;
	v14 =	vadd.f32 v60, v14;
	v58 =	vmul.f32 v63, v25  }
0x161: {  	v4 =	vld [tilespmem:s16+$0x120];
	v51 =	vmul.f32 v51, v49;
	v35 =	vmul.f32 v52, v31  }
0x162: {  	v17 =	vadd.f32 v46, v17;
	v41 =	vadd.f32 v58, v14;
	v58 =	vmul.f32 v19, v61  }
0x163: {  	v52 =	vmul.f32 v52, v53;
	v53 =	vmul.f32 v20, v49  }
0x164: {  	v54 =	vld [tilespmem:s16+$0xFFFFFFA0];
	v20 =	vmul.f32 v20, v59;
	v17 =	vadd.f32 v6, v17;
	v41 =	vadd.f32 v58, v41  }
0x165: {  	[tilespmem:$0x1FCD0] =	vst v10;
	v10 =	vmul.f32 v11, v32;
	v22 =	vadd.f32 v51, v22  }
0x166: {  	v18 =	vmul.f32 v4, v45;
	v17 =	vadd.f32 v30, v17;
	v20 =	vadd.f32 v20, v41  }
0x167: {  	[tilespmem:$0x1FF30] =	vst v42;
	v42 =	vmul.f32 v15, v36;
	v22 =	vadd.f32 v62, v22  }
0x168: {  	v15 =	vmul.f32 v4, v47;
	v10 =	vadd.f32 v10, v17;
	v18 =	vadd.f32 v18, v20  }
0x169: {  	v4 =	vmul.f32 v54, v36;
	v5 =	vmul.f32 v54, v43;
	v54 =	vld [tilespmem:s16+$0xFFFFFED0];
	v22 =	vadd.f32 v1, v22  }
0x16a: {  	v55 =	vld [tilespmem:s16+$0xFFFFFE10];
	v8 =	vadd.f32 v8, v10;
	v10 =	vadd.f32 v16, v18  }
0x16b: {  	[tilespmem:$0x1FDC0] =	vst v52;
	v52 =	vld [tilespmem:s16+$0xFFFFFF90]  }
0x16c: {  	v11 =	vmul.f32 v11, v33;
	v22 =	vadd.f32 v27, v22;
	v10 =	vadd.f32 v7, v10;
	v7 =	vld [tilespmem:$0x1FAC0]  }
0x16d: {  	v21 =	vmul.f32 v21, v0  }
0x16e: {  	v46 =	vmul.f32 v54, v36;
	v6 =	vmul.f32 v54, v43;
	v11 =	vadd.f32 v11, v22  }
0x16f: {  	v54 =	vmul.f32 v55, v32;
	v27 =	vmul.f32 v55, v33;
	v55 =	vmovc v0;
	v0 =	vld [tilespmem:$0x1FAB0];
	v1 =	vadd.f32 v40, v8  }
0x170: {  	v13 =	vmul.f32 v52, v38;
	v14 =	vmul.f32 v52, v48;
	v52 =	vld [tilespmem:s16+$0x40];
	v9 =	vadd.f32 v9, v11  }
0x171: {  	v1 =	vadd.f32 v7, v1;
	v7 =	vld [tilespmem:$0x1FAD0]  }
0x172: {  	v9 =	vadd.f32 v39, v9  }
0x173: {  	v23 =	vmul.f32 v23, v56;
	v32 =	vld [tilespmem:s16+$0x0]  }
0x174: {  	v58 =	vld [tilespmem:s16+$0xFFFFFF80];
	v0 =	vadd.f32 v0, v9  }
0x175: {  	v63 =	vmul.f32 v63, v26;
	v17 =	vmul.f32 v19, v28;
	v19 =	vadd.f32 v23, v21;
	v11 =	vld [tilespmem:s16+$0xFFFFFEC0]  }
0x176: {  	v23 =	vmul.f32 v52, v49;
	v18 =	vmul.f32 v52, v59;
	v52 =	vadd.f32 v7, v0;
	v7 =	vld [tilespmem:$0x1FAE0]  }
0x177: {  	v19 =	vadd.f32 v63, v19;
	v16 =	vld [tilespmem:s16+$0x10]  }
0x178: {  	v62 =	vld [tilespmem:s16+$0xFFFFFD50]  }
0x179: {  	v20 =	vmul.f32 v58, v47;
	v17 =	vadd.f32 v17, v19;
	v9 =	vmul.f32 v58, v45;
	v58 =	vld [tilespmem:s16+$0x20]  }
0x17a: {  	v8 =	vmul.f32 v11, v38;
	v19 =	vadd.f32 v37, v10;
	v0 =	vld [tilespmem:s16+$0x30]  }
0x17b: {  	v10 =	vmul.f32 v11, v48;
	v11 =	vadd.f32 v53, v17;
	v41 =	vadd.f32 v7, v1;
	v7 =	vld [tilespmem:$0x1FAF0]  }
0x17c: {  	v60 =	vmov v25;
	v17 =	vmul.f32 v32, v55;
	v25 =	vmul.f32 v16, v56  }
0x17d: {  	v11 =	vadd.f32 v15, v11  }
0x17e: {  	v19 =	vadd.f32 v44, v19;
	v17 =	vadd.f32 v25, v17;
	v25 =	vmul.f32 v58, v26  }
0x17f: {  	v30 =	vmul.f32 v62, v31;
	v31 =	vmov v60;
	v37 =	vld [tilespmem:s16+$0xFFFFFF30];
	v11 =	vadd.f32 v29, v11  }
0x180: {  	v60 =	vmovc v2;
	v17 =	vadd.f32 v25, v17;
	v2 =	vmul.f32 v0, v28;
	v19 =	vadd.f32 v7, v19;
	v7 =	vld [tilespmem:$0x1FB00]  }
0x181: {  	v21 =	vmul.f32 v32, v50;
	v16 =	vmul.f32 v16, v57;
	v15 =	vld [tilespmem:s16+$0xFFFFFF40]  }
0x182: {  	v32 =	vmul.f32 v58, v31;
	v58 =	vadd.f32 v34, v11;
	v11 =	vadd.f32 v2, v17;
	v17 =	vld [tilespmem:$0x1FB10]  }
0x183: {  	[tilespmem:$0x1FDE0] =	vst v24;
	v24 =	vld [tilespmem:s16+$0x50]  }
0x184: {  	v40 =	vld [tilespmem:s16+$0xFFFFFF50];
	v16 =	vadd.f32 v16, v21  }
0x185: {  	v19 =	vadd.f32 v7, v19  }
0x186: {  	v39 =	vmov v55;
	v16 =	vadd.f32 v32, v16;
	v0 =	vmul.f32 v0, v61;
	v7 =	vld [tilespmem:s16+$0xFFFFFF60]  }
0x187: {  	v55 =	vadd.f32 v17, v19;
	v17 =	vmul.f32 v37, v39;
	v19 =	vmul.f32 v15, v56  }
0x188: {  	v63 =	vld [tilespmem:s16+$0xFFFFFF70];
	v0 =	vadd.f32 v0, v16;
	v16 =	vmul.f32 v37, v50;
	v15 =	vmul.f32 v15, v57  }
0x189: {  	v51 =	vmul.f32 v24, v47;
	v1 =	vld [tilespmem:s16+$0xFFFFFE00];
	v17 =	vadd.f32 v19, v17;
	v19 =	vmul.f32 v40, v26  }
0x18a: {  	v24 =	vmul.f32 v24, v45;
	v0 =	vadd.f32 v18, v0;
	v15 =	vadd.f32 v15, v16  }
0x18b: {  	v16 =	vmul.f32 v40, v31;
	v18 =	vmul.f32 v7, v28;
	v17 =	vadd.f32 v19, v17  }
0x18c: {  	v0 =	vadd.f32 v24, v0  }
0x18d: {  	v2 =	vld [tilespmem:$0x1FB20];
	v15 =	vadd.f32 v16, v15;
	v16 =	vadd.f32 v18, v17;
	v17 =	vmul.f32 v63, v49  }
0x18e: {  	v11 =	vadd.f32 v23, v11;
	v44 =	vmul.f32 v1, v36;
	v7 =	vmul.f32 v7, v61  }
0x18f: {  	v18 =	vadd.f32 v3, v0;
	v0 =	vmul.f32 v1, v43;
	v1 =	vadd.f32 v17, v16;
	v17 =	vld [tilespmem:$0x1FB40]  }
0x190: {  	v7 =	vadd.f32 v7, v15;
	v15 =	vmul.f32 v63, v59  }
0x191: {  	v34 =	vld [tilespmem:s16+$0xFFFFFE70];
	v11 =	vadd.f32 v51, v11  }
0x192: {  	v2 =	vadd.f32 v2, v18;
	v7 =	vadd.f32 v15, v7;
	v15 =	vld [tilespmem:$0x1FB30]  }
0x193: {  	v51 =	vld [tilespmem:s16+$0xFFFFFD40];
	v11 =	vadd.f32 v12, v11;
	v1 =	vadd.f32 v20, v1  }
0x194: {  	v17 =	vadd.f32 v17, v2;
	v2 =	vadd.f32 v9, v7;
	v7 =	vld [tilespmem:$0x1FB50]  }
0x195: {  	v12 =	vld [tilespmem:s16+$0xFFFFFE60];
	v3 =	vadd.f32 v42, v11  }
0x196: {  	v1 =	vadd.f32 v13, v1;
	v2 =	vadd.f32 v14, v2;
	v14 =	vld [tilespmem:$0x1FB60]  }
0x197: {  	v25 =	vmov v39;
	v39 =	vld [tilespmem:s16+$0xFFFFFD30];
	v3 =	vadd.f32 v15, v3  }
0x198: {  	v1 =	vadd.f32 v4, v1;
	v4 =	vadd.f32 v5, v2;
	v2 =	vld [tilespmem:$0x1FB70]  }
0x199: {  	v16 =	vld [tilespmem:s16+$0xFFFFFE80];
	v3 =	vadd.f32 v7, v3  }
0x19a: {  	v40 =	vmul.f32 v51, v33;
	v33 =	vld [tilespmem:$0x1FBB0]  }
0x19b: {  	v11 =	vld [tilespmem:s16+$0xFFFFFDF0];
	v43 =	vmul.f32 v34, v57;
	v34 =	vmul.f32 v34, v56;
	v3 =	vadd.f32 v14, v3  }
0x19c: {  	v18 =	vld [tilespmem:s16+$0xFFFFFE90];
	v9 =	vmul.f32 v12, v50;
	v12 =	vmul.f32 v12, v25  }
0x19d: {  	v3 =	vadd.f32 v2, v3;
	v2 =	vld [tilespmem:$0x1FB80]  }
0x19e: {  	v13 =	vld [tilespmem:s16+$0xFFFFFEA0];
	v53 =	vmul.f32 v16, v31;
	v16 =	vmul.f32 v16, v26;
	v12 =	vadd.f32 v34, v12  }
0x19f: {  	v19 =	vld [tilespmem:s16+$0xFFFFFEB0];
	v14 =	vadd.f32 v43, v9  }
0x1a0: {  	v63 =	vld [tilespmem:$0x1FBA0];
	v16 =	vadd.f32 v16, v12;
	v7 =	vmul.f32 v11, v38  }
0x1a1: {  	v12 =	vld [tilespmem:$0x1FC10];
	v9 =	vmul.f32 v11, v48;
	v11 =	vmul.f32 v18, v61;
	v5 =	vadd.f32 v53, v14  }
0x1a2: {  	v1 =	vadd.f32 v2, v1;
	v2 =	vmul.f32 v39, v36;
	v36 =	vld [tilespmem:$0x1FBD0]  }
0x1a3: {  	v32 =	vmovc v31;
	v31 =	vadd.f32 v33, v3;
	v3 =	vadd.f32 v11, v5;
	v5 =	vmul.f32 v13, v59;
	v11 =	vld [tilespmem:$0x1FBC0]  }
0x1a4: {  	v15 =	vmul.f32 v19, v47;
	v19 =	vmul.f32 v19, v45;
	v43 =	vld [tilespmem:$0x1FBF0]  }
0x1a5: {  	v4 =	vadd.f32 v63, v4;
	v3 =	vadd.f32 v5, v3;
	v5 =	vmul.f32 v13, v49;
	v13 =	vld [tilespmem:$0x1FBE0]  }
0x1a6: {  	v14 =	vld [tilespmem:s16+$0xFFFFFDE0]  }
0x1a7: {  	v42 =	vld [tilespmem:s16+$0xFFFFFD90];
	v3 =	vadd.f32 v19, v3;
	v4 =	vadd.f32 v36, v4  }
0x1a8: {  	v19 =	vld [tilespmem:$0x1FC00];
	v11 =	vadd.f32 v11, v1  }
0x1a9: {  	v3 =	vadd.f32 v10, v3;
	v10 =	vld [tilespmem:$0x1FC20];
	v4 =	vadd.f32 v43, v4  }
0x1aa: {  	v11 =	vadd.f32 v13, v11;
	v13 =	vld [tilespmem:s16+$0xFFFFFDA0]  }
0x1ab: {  	v20 =	vmul.f32 v14, v47;
	v4 =	vadd.f32 v12, v4;
	v12 =	vmul.f32 v14, v45;
	v14 =	vld [tilespmem:$0x1FC30];
	_ =	sdelay $0x1  }
0x1ac: {  	v18 =	vmul.f32 v18, v28;
	v11 =	vadd.f32 v19, v11;
	v19 =	vld [tilespmem:s16+$0xFFFFFDB0]  }
0x1ad: {  	v48 =	vld [tilespmem:s16+$0xFFFFFDC0]  }
0x1ae: {  	v53 =	vld [tilespmem:$0x1FB90];
	v29 =	vadd.f32 v10, v11;
	v11 =	vadd.f32 v18, v16  }
0x1af: {  	v37 =	vmovc v28;
	v1 =	vld [tilespmem:s16+$0xFFFFFD20];
	v28 =	vadd.f32 v14, v4;
	v4 =	vmul.f32 v42, v25;
	v14 =	vmul.f32 v13, v56  }
0x1b0: {  	v18 =	vmul.f32 v13, v57;
	v57 =	vld [tilespmem:s16+$0xFFFFFDD0];
	v5 =	vadd.f32 v5, v11  }
0x1b1: {  	v11 =	vmul.f32 v19, v26;
	v13 =	vld [tilespmem:$0x1FC40];
	v4 =	vadd.f32 v14, v4  }
0x1b2: {  	v3 =	vadd.f32 v6, v3;
	v6 =	vld [tilespmem:s16+$0xFFFFFD10];
	v5 =	vadd.f32 v15, v5  }
0x1b3: {  	v15 =	vmul.f32 v48, v37;
	v4 =	vadd.f32 v11, v4;
	v11 =	vld [tilespmem:$0x1FC50]  }
0x1b4: {  	v16 =	vmul.f32 v42, v50;
	v5 =	vadd.f32 v8, v5;
	v8 =	vld [tilespmem:$0x1FC60]  }
0x1b5: {  	v63 =	vmul.f32 v57, v49;
	v14 =	vld [tilespmem:s16+$0xFFFFFCD0];
	v4 =	vadd.f32 v15, v4  }
0x1b6: {  	v16 =	vadd.f32 v18, v16;
	v3 =	vadd.f32 v13, v3;
	v13 =	vld [tilespmem:s16+$0xFFFFFCC0]  }
0x1b7: {  	v18 =	vmul.f32 v19, v32;
	v42 =	vadd.f32 v46, v5;
	v5 =	vadd.f32 v63, v4;
	v4 =	vld [tilespmem:$0x1FC80]  }
0x1b8: {  	v3 =	vadd.f32 v11, v3;
	v11 =	vld [tilespmem:s16+$0xFFFFFD00]  }
0x1b9: {  	p0 =	sne.s32 s20, $0xFC0;
	v32 =	vmovc v35;
	v19 =	vmul.f32 v48, v61;
	v18 =	vadd.f32 v18, v16;
	v35 =	vadd.f32 v20, v5;
	v5 =	vld [tilespmem:$0x1FC90]  }
.Ltmp0:
0x1ba: {  	v16 =	vld [tilespmem:s16+$0xFFFFFCE0];
	v3 =	vadd.f32 v8, v3;
	(pc) =	sbr.rel @p0 .LBB2_2-.Ltmp0, $4  }
0x1bb: {  	v18 =	vadd.f32 v19, v18;
	v19 =	vmul.f32 v57, v59;
	v46 =	vld [tilespmem:$0x1FC70]  }
0x1bc: {  	v10 =	vmul.f32 v1, v38;
	v15 =	vld [tilespmem:s16+$0xFFFFFCF0];
	v3 =	vadd.f32 v4, v3  }
0x1bd: {  	v34 =	vadd.f32 v19, v18;
	v38 =	vmul.f32 v14, v56;
	v37 =	vmul.f32 v13, v25;
	v4 =	vld [tilespmem:s16+$0x270]  }
0x1be: {  	s18 =	smov.u32 s20;
	s20 =	sadd.s32 $0x40, s20;
	v8 =	vmul.f32 v6, v47;
	v33 =	vmul.f32 v11, v49;
	v3 =	vadd.f32 v5, v3;
	v5 =	vld [tilespmem:s16+$0x280]  }
0x1bf: {  	v22 =	vld [tilespmem:$0x1FE20]  }
0x1c0: {  	v26 =	vld [tilespmem:$0x1FDD0]  }
0x1c1: {  	v36 =	vld [tilespmem:$0x1FDF0]  }
0x1c2: {  	v20 =	vld [tilespmem:s16+$0x290]  }
0x1c3: {  	v21 =	vld [tilespmem:$0x1FE80]  }
0x1c4: {  	v7 =	vadd.f32 v7, v35;
	v35 =	vld [tilespmem:$0x1FE60]  }
0x1c5: {  	v43 =	vld [tilespmem:$0x1FFD0]  }
0x1c6: {  	v12 =	vadd.f32 v12, v34;
	v34 =	vld [tilespmem:$0x1FEC0]  }
0x1c7: {  	v25 =	vld [tilespmem:$0x1FEE0]  }
0x1c8: {  	v24 =	vld [tilespmem:$0x1FED0]  }
0x1c9: {  	v56 =	vld [tilespmem:$0x1FFF0]  }
0x1ca: {  	v23 =	vld [tilespmem:$0x1FEB0]  }
0x1cb: {  	v59 =	vld [tilespmem:$0x1FFC0]  }
0x1cc: {  	v61 =	vld [tilespmem:$0x1FD80];
	(xrf2) =	vadd.scan.msk.f32 $0xffff, v52  }
0x1cd: {  	(xrf2) =	vadd.scan.msk.f32 $0xffff, v41;
	v7 =	vadd.f32 v44, v7;
	v44 =	vld [tilespmem:$0x1FFE0]  }
0x1ce: {  	(xrf2) =	vadd.scan.msk.f32 $0xffff, v55;
	v55 =	vld [tilespmem:$0x1FD70]  }
0x1cf: {  	(xrf2) =	vadd.scan.msk.f32 $0xffff, v31;
	v7 =	vadd.f32 v27, v7;
	v27 =	vld [tilespmem:$0x1FD40]  }
0x1d0: {  	(xrf2) =	vadd.scan.msk.f32 $0xffff, v29;
	v29 =	vld [tilespmem:$0x1FD30]  }
0x1d1: {  	v18 =	vadd.f32 v38, v37;
	v19 =	vmul.f32 v16, v22;
	v38 =	vmul.f32 v16, v35;
	v16 =	vld [tilespmem:s16+$0x2A0]  }
0x1d2: {  	v48 =	vmul.f32 v20, v22;
	v22 =	vld [tilespmem:$0x1FE70]  }
0x1d3: {  	v37 =	vmul.f32 v15, v21;
	v45 =	vmul.f32 v15, v34;
	v15 =	vld [tilespmem:$0x1FFB0]  }
0x1d4: {  	v13 =	vmul.f32 v13, v26;
	v14 =	vmul.f32 v14, v36;
	(xrf2) =	vadd.scan.msk.f32 $0xffff, v28;
	v28 =	vld [tilespmem:$0x1FF10]  }
0x1d5: {  	v7 =	vadd.f32 v32, v7;
	v32 =	vld [tilespmem:$0x1FF90];
	v18 =	vadd.f32 v19, v18  }
0x1d6: {  	v13 =	vadd.f32 v14, v13;
	v14 =	vld [tilespmem:s16+$0x2B0]  }
0x1d7: {  	v9 =	vadd.f32 v9, v12;
	v12 =	vadd.f32 v37, v18;
	v18 =	vmul.f32 v4, v43;
	v43 =	vld [tilespmem:$0x1FF80]  }
0x1d8: {  	v13 =	vadd.f32 v38, v13;
	v38 =	vmul.f32 v5, v36;
	v36 =	vld [tilespmem:$0x1FD00]  }
0x1d9: {  	v50 =	vmul.f32 v16, v21;
	v21 =	vld [tilespmem:$0x1FE50]  }
0x1da: {  	v63 =	vmul.f32 v39, v22;
	v39 =	vld [tilespmem:$0x1FDA0]  }
0x1db: {  	v19 =	vmul.f32 v5, v44;
	v52 =	vmul.f32 v16, v34;
	v34 =	vld [tilespmem:$0x1FF20]  }
0x1dc: {  	v0 =	vadd.f32 v0, v9;
	v9 =	vadd.f32 v45, v13;
	v13 =	vld [tilespmem:s16+$0x2C0]  }
0x1dd: {  	v11 =	vmul.f32 v11, v25;
	v47 =	vadd.f32 v19, v18;
	v19 =	vld [tilespmem:$0x1FFA0]  }
0x1de: {  	v12 =	vadd.f32 v33, v12;
	v45 =	vld [tilespmem:$0x1FE10]  }
0x1df: {  	v49 =	vadd.f32 v48, v47;
	v9 =	vadd.f32 v11, v9;
	v11 =	vld [tilespmem:s16+$0x2D0]  }
0x1e0: {  	v6 =	vmul.f32 v6, v24;
	v0 =	vadd.f32 v54, v0;
	v8 =	vadd.f32 v8, v12;
	v48 =	vld [tilespmem:$0x1FD60]  }
0x1e1: {  	v12 =	vmul.f32 v14, v56;
	v56 =	vmul.f32 v14, v25;
	v14 =	vld [tilespmem:$0x1FD50];
	v54 =	vadd.f32 v50, v49  }
0x1e2: {  	v37 =	vmul.f32 v4, v26;
	v6 =	vadd.f32 v6, v9;
	v9 =	vld [tilespmem:s16+$0x2E0]  }
0x1e3: {  	v25 =	vld [tilespmem:$0x1FD20];
	v8 =	vadd.f32 v10, v8;
	v10 =	vmul.f32 v13, v59;
	v57 =	vadd.f32 v12, v54  }
0x1e4: {  	v1 =	vmul.f32 v1, v23;
	v4 =	vadd.f32 v38, v37;
	v47 =	vmul.f32 v20, v35;
	v49 =	vld [tilespmem:$0x1FE00]  }
0x1e5: {  	v2 =	vadd.f32 v2, v8;
	v12 =	vld [tilespmem:s16+$0x2F0];
	v8 =	vadd.f32 v10, v57;
	v10 =	vmul.f32 v11, v15  }
0x1e6: {  	v1 =	vadd.f32 v1, v6;
	v54 =	vld [tilespmem:$0x1FDE0]  }
0x1e7: {  	v4 =	vadd.f32 v47, v4;
	v8 =	vadd.f32 v10, v8;
	v10 =	vmul.f32 v9, v19;
	v19 =	vld [tilespmem:$0x1FE30]  }
0x1e8: {  	v18 =	vmul.f32 v51, v21;
	v1 =	vadd.f32 v63, v1;
	v15 =	vld [tilespmem:s16+$0x300]  }
0x1e9: {  	v51 =	vld [tilespmem:$0x1FDB0];
	v6 =	vadd.f32 v61, v7;
	v4 =	vadd.f32 v52, v4  }
0x1ea: {  	v2 =	vadd.f32 v40, v2;
	v1 =	vadd.f32 v18, v1;
	v18 =	vld [tilespmem:s16+$0x310]  }
0x1eb: {  	v59 =	vld [tilespmem:$0x1FE40];
	v6 =	vadd.f32 v53, v6;
	v33 =	vmul.f32 v12, v32;
	v8 =	vadd.f32 v10, v8  }
0x1ec: {  	v61 =	vld [tilespmem:$0x1FD90];
	v4 =	vadd.f32 v56, v4;
	v2 =	vadd.f32 v30, v2;
	v30 =	vmul.f32 v62, v19  }
0x1ed: {  	v53 =	vld [tilespmem:$0x1FDC0];
	v10 =	vmul.f32 v54, v32;
	v44 =	vmul.f32 v15, v43;
	v40 =	vadd.f32 v33, v8  }
0x1ee: {  	v2 =	vadd.f32 v60, v2;
	v60 =	vld [tilespmem:$0x1FF70];
	v1 =	vadd.f32 v30, v1  }
0x1ef: {  	v57 =	vadd.f32 v10, v42;
	v10 =	vld [tilespmem:$0x1FF40];
	v50 =	vmul.f32 v18, v49;
	v7 =	vadd.f32 v44, v40  }
0x1f0: {  	v6 =	vadd.f32 v27, v6;
	v62 =	vmul.f32 v13, v24;
	v13 =	vld [tilespmem:$0x1FEA0];
	v1 =	vadd.f32 v45, v1  }
0x1f1: {  	v47 =	vld [tilespmem:$0x1FCC0];
	v2 =	vadd.f32 v39, v2;
	v7 =	vadd.f32 v50, v7  }
0x1f2: {  	v27 =	vld [tilespmem:$0x1FF50];
	v0 =	vadd.f32 v53, v0;
	v1 =	vadd.f32 v51, v1  }
0x1f3: {  	(xrf2) =	vadd.scan.msk.f32 $0xffff, v3;
	v52 =	vld [tilespmem:$0x1FF00];
	v8 =	vmul.f32 v59, v43;
	v2 =	vadd.f32 v48, v2;
	v7 =	vadd.f32 v60, v7  }
0x1f4: {  	(xrf2) =	vadd.scan.msk.f32 $0xffff, v6;
	v32 =	vld [tilespmem:$0x1FD10];
	v0 =	vadd.f32 v61, v0;
	v1 =	vadd.f32 v55, v1  }
0x1f5: {  	v39 =	vld [tilespmem:$0x1FCF0];
	v63 =	vadd.f32 v8, v57;
	(xrf2) =	vadd.scan.msk.f32 $0xffff, v2;
	v6 =	vmul.f32 v13, v49;
	v3 =	vadd.f32 v10, v7  }
0x1f6: {  	v24 =	vmul.f32 v11, v23;
	v40 =	vld [tilespmem:$0x1FCD0];
	v0 =	vadd.f32 v14, v0;
	v16 =	vadd.f32 v62, v4;
	(xrf2) =	vadd.scan.msk.f32 $0xffff, v1  }
0x1f7: {  	v26, _, _ =	vpop (xrf2);
	v5 =	vadd.f32 v25, v17;
	v42 =	vld [tilespmem:$0x1FCE0];
	v2 =	vadd.f32 v6, v63;
	v6 =	vmul.f32 v28, v27;
	(xrf2) =	vadd.scan.msk.f32 $0xffff, v3  }
0x1f8: {  	v31, _, _ =	vpop (xrf2);
	v30 =	vmul.f32 v9, v22;
	v0 =	vadd.f32 v29, v0;
	v45 =	vld [tilespmem:$0x1FCB0];
	v1 =	vadd.f32 v24, v16  }
0x1f9: {  	v35 =	vmul.f32 v46, v34;
	v33, _, _ =	vpop (xrf2);
	v48 =	vld [tilespmem:$0x1FE90];
	v2 =	vadd.f32 v6, v2;
	v6 =	vadd.f32 v32, v58  }
0x1fa: {  	v5 =	vadd.f32 v36, v5;
	v37 =	vmul.f32 v12, v21;
	v38, _, _ =	vpop (xrf2);
	v50 =	vld [tilespmem:$0x1FCA0];
	v1 =	vadd.f32 v30, v1;
	(xrf2) =	vadd.scan.msk.f32 $0xffff, v0  }
0x1fb: {  	v53 =	vld [tilespmem:$0x1FF60];
	v41, _, _ =	vpop (xrf2);
	v9 =	vmul.f32 v40, v49;
	v2 =	vadd.f32 v35, v2;
	v6 =	vadd.f32 v39, v6  }
0x1fc: {  	v56 =	vld [tilespmem:$0x1FEF0];
	v43 =	vmul.f32 v15, v19;
	v44, _, _ =	vpop (xrf2);
	v5 =	vadd.f32 v42, v5;
	v1 =	vadd.f32 v37, v1  }
0x1fd: {  	v57 =	vld [tilespmem:$0x1FF30];
	v46, _, _ =	vpop (xrf2);
	v6 =	vadd.f32 v9, v6;
	v9 =	vmul.f32 v45, v27;
	(xrf2) =	vadd.scan.msk.f32 $0xffff, v2  }
0x1fe: {  	v5 =	vadd.f32 v47, v5;
	v4 =	vmul.f32 v18, v48;
	v49, _, _ =	vpop (xrf2);
	v1 =	vadd.f32 v43, v1  }
0x1ff: {  	v51, _, _ =	vpop (xrf2);
	v6 =	vadd.f32 v9, v6;
	v9 =	vmul.f32 v50, v34  }
0x200: {  	(xrf2) =	vadd.scan.msk.f32 $0xffff, v5;
	v1 =	vadd.f32 v4, v1;
	v4 =	vmul.f32 v53, v52;
	v54, _, _ =	vpop (xrf2)  }
0x201: {  	v6 =	vadd.f32 v9, v6;
	v55, _, _ =	vpop (xrf2)  }
0x202: {  	v1 =	vadd.f32 v4, v1;
	v4 =	vmul.f32 v57, v56;
	(v2sf) =	vpush v55, $0xF  }
0x203: {  	(xrf2) =	vadd.scan.msk.f32 $0xffff, v6;
	(v2sf) =	vpush v54, $0xF  }
0x204: {  	v1 =	vadd.f32 v4, v1;
	v58, _, _ =	vpop (xrf2);
	(v2sf) =	vpush v51, $0xF  }
0x205: {  	(v2sf) =	vpush v58, $0xF  }
0x206: {  	(xrf2) =	vadd.scan.msk.f32 $0xffff, v1;
	(v2sf) =	vpush v49, $0xF  }
0x207: {  	v59, _, _ =	vpop (xrf2);
	(v2sf) =	vpush v46, $0xF  }
0x208: {  	(v2sf) =	vpush v59, $0xF  }
0x209: {  	(v2sf) =	vpush v44, $0xF  }
0x20a: {  	v60, _, _ =	vpop (xrf2);
	(v2sf) =	vpush v41, $0xF  }
0x20b: {  	(v2sf) =	vpush v60, $0xF  }
0x20c: {  	(v2sf) =	vpush v38, $0xF  }
0x20d: {  	v61, _, _ =	vpop (xrf2);
	(v2sf) =	vpush v33, $0xF  }
0x20e: {  	(v2sf) =	vpush v61, $0xF  }
0x20f: {  	(v2sf) =	vpush v31, $0xF  }
0x210: {  	v62, _, _ =	vpop (xrf2);
	(v2sf) =	vpush v26, $0xF  }
0x211: {  	(v2sf) =	vpush v62, $0xF;
	s24 =	spop (v2sf)  }
0x212: {  	s16 =	sadd.f32 s24, s19;
	s20 =	spop (v2sf)  }
0x213: {  	s20 =	sadd.f32 s20, s17;
	s21 =	spop (v2sf)  }
0x214: {  	s21 =	sadd.f32 s21, s19;
	v63 =	vmov s16;
	s25 =	spop (v2sf)  }
0x215: {  	s16 =	sadd.f32 s25, s17;
	v0 =	vsel vm0, s20, v63;
	s26 =	spop (v2sf)  }
0x216: {  	s20 =	sadd.f32 s26, s19;
	v0 =	vsel vm1, s21, v0;
	s28 =	spop (v2sf)  }
0x217: {  	s21 =	sadd.f32 s28, s17;
	v0 =	vsel vm2, s16, v0;
	s29 =	spop (v2sf)  }
0x218: {  	s16 =	sadd.f32 s29, s19;
	v0 =	vsel vm3, s20, v0;
	s30 =	spop (v2sf)  }
0x219: {  	s20 =	sadd.f32 s30, s17;
	v0 =	vsel vm4, s21, v0;
	s31 =	spop (v2sf)  }
0x21a: {  	s21 =	sadd.f32 s31, s19;
	v0 =	vsel vm5, s16, v0;
	s22 =	spop (v2sf)  }
0x21b: {  	s16 =	sadd.f32 s22, s17;
	v0 =	vsel vm6, s20, v0;
	s23 =	spop (v2sf)  }
0x21c: {  	s20 =	sadd.f32 s23, s19;
	v0 =	vsel vm7, s21, v0;
	s24 =	spop (v2sf)  }
0x21d: {  	s21 =	sadd.f32 s24, s17;
	v0 =	vsel vm8, s16, v0;
	s25 =	spop (v2sf)  }
0x21e: {  	s16 =	sadd.f32 s25, s19;
	v0 =	vsel vm9, s20, v0;
	s26 =	spop (v2sf)  }
0x21f: {  	s20 =	sadd.f32 s26, s17;
	v0 =	vsel vm10, s21, v0;
	s28 =	spop (v2sf)  }
0x220: {  	s29 =	sadd.f32 s28, s19;
	v0 =	vsel vm11, s16, v0;
	s30 =	spop (v2sf)  }
0x221: {  	s16 =	sadd.f32 s30, s17;
	v0 =	vsel vm12, s20, v0  }
0x222: {  	s15 =	sadd.s32 $0x1, s15;
	v0 =	vsel vm13, s29, v0  }
0x223: {  	p0 =	sne.s32 s15, s8;
	s31 =	sshra.s32 s18, $0x2;
	v0 =	vsel vm14, s16, v0  }
.Ltmp1:
0x224: {  	[tilespmem:s31+$0x1BBB0] =	vst v0;
	(pc) =	sbr.rel @p0 .LBB2_1-.Ltmp1, $4  }
0x225: {  	[hbm4b:s7+s2] =	stream.linear.scatter [tilespmem:s14], [sflag:$0x2], $0x400, $0x38;
	[tilespmem:$0x1BFB0] =	vst v63  }
0x226: {  	_ =	swait.ge [sflag:s9], $0x400  }
0x227: {  	[sflag:s9] =	ssyncset.done $0x0  }
0x228: {  	[sflag:s9] =	ssyncadd.s32 $0xFFFFFC00  }
0x229: {  	_ =	sfence.sel $0x180000  }
0x22a: {  	[bflag:$0x0] =	sbarrier.arrive $0xFFFF  }
0x22b: {  	p0 =	sne.s32 s0, $0x0;
	_ =	strace $0x90000047  }
0x22c: {  	s0 =	sadd.s32 @!p0 $0x100000, s1;
	[bflag:$0x2] =	sbarrier.arrive $0xFFFF  }
0x22d: {  	[sflag:s0] =	ssyncadd.tile.s32 @!p0 $0x1;
	_ =	shalt  }
.Lfunc_end2:
_tile_overlayer_lowered:
.L_overlay_start_2:
0x22e: {  	(tag) =	ssettag $0x2  }
0x22f: {  	s0 =	rddreg [dreg:$0x0];
	s2 =	stileid.u32  }
0x230: {  	s1 =	rddreg [dreg:$0x1];
	p0 =	sne.s32 s2, $0x0  }
0x231: {  	s3 =	rddreg [dreg:$0x2];
	[bflag:$0x3] =	sbarrier.arrive $0xFFFF;
	s2 =	simm.s32 @!p0 $0x1C02  }
0x232: {  	[timem:s3], [sflag:s2] =	dma.local @!p0 [hbm:s0], s1  }
0x233: {  	s0 =	simm.s32 @!p0 $0x2  }
0x234: {  	_ =	swait.ge @!p0 [sflag:s0], s1  }
0x235: {  	s1 =	ssub.s32 @!p0 $0x0, s1;
	[sflag:s0] =	ssyncset.done @!p0 $0x0  }
0x236: {  	[sflag:s0] =	ssyncadd.s32 @!p0 s1  }
0x237: {  	[bflag:$0x3] =	sbarrier.arrive $0xFFFF  }
0x238: {  	_ =	shalt  }

</sc_bundles>
